<compile_context>
chip_gen: v7x
topology: tpu7x:2x2x1
jax: 0.10.2.dev20260603
libtpu: 0.0.44.dev20260713+nightly
codegen_flags: <defaults>
</compile_context>

<pallas_src>
import functools

import jax
import jax.numpy as jnp
from jax import lax
from jax.experimental import pallas as pl
from jax.experimental.pallas import tpu as pltpu
from jax.experimental.pallas import tpu_sc as plsc

N_ATOMS = 100000
FEATURE_DIM = 128
MAX_ROWS = 109

NUM_CORES = 2
NUM_SUBCORES = 16
NW = NUM_CORES * NUM_SUBCORES

CHUNK = 80
N_CHUNKS = N_ATOMS // CHUNK
BIG_CHUNKS = 40
SMALL_CHUNKS = 39
NBUF = 4

_mesh = plsc.VectorSubcoreMesh(core_axis_name="c", subcore_axis_name="s")


@functools.partial(
    pl.kernel,
    mesh=_mesh,
    out_type=jax.ShapeDtypeStruct((N_ATOMS, FEATURE_DIM), jnp.float32),
    scratch_types=[
        pltpu.VMEM((BIG_CHUNKS * CHUNK,), jnp.int32),
        *[pltpu.VMEM((CHUNK, FEATURE_DIM), jnp.float32)
          for _ in range(NBUF)],
        pltpu.VMEM_SHARED((MAX_ROWS, FEATURE_DIM), jnp.float32),
        *[pltpu.SemaphoreType.DMA for _ in range(2 * NBUF)],
    ],
)
def _embed_gather(idx_hbm, table_hbm, out_hbm, idx_v, *scr):
    rows = scr[:NBUF]
    shared_tab = scr[NBUF]
    gsem = scr[NBUF + 1:2 * NBUF + 1]
    osem = scr[2 * NBUF + 1:]
    sid = lax.axis_index("s")
    wid = sid * NUM_CORES + lax.axis_index("c")
    cbase = SMALL_CHUNKS * wid + jnp.minimum(wid, 2)

    @pl.when(sid == 0)
    def _():
        pltpu.sync_copy(table_hbm, shared_tab)

    @pl.when(wid < 2)
    def _():
        pltpu.sync_copy(idx_hbm.at[pl.ds(cbase * CHUNK, BIG_CHUNKS * CHUNK)],
                        idx_v)

    @pl.when(wid >= 2)
    def _():
        pltpu.sync_copy(idx_hbm.at[pl.ds(cbase * CHUNK, SMALL_CHUNKS * CHUNK)],
                        idx_v.at[pl.ds(0, SMALL_CHUNKS * CHUNK)])

    plsc.subcore_barrier()

    def start_gather(k, b):
        pltpu.async_copy(shared_tab.at[idx_v.at[pl.ds(k * CHUNK, CHUNK)]],
                         rows[b], gsem[b])

    def wait_gather(b):
        pltpu.make_async_copy(shared_tab.at[idx_v.at[pl.ds(0, CHUNK)]],
                              rows[b], gsem[b]).wait()

    def start_out(k, b):
        pltpu.async_copy(rows[b],
                         out_hbm.at[pl.ds((cbase + k) * CHUNK, CHUNK)],
                         osem[b])

    def wait_out(b):
        pltpu.make_async_copy(rows[b], out_hbm.at[pl.ds(0, CHUNK)],
                              osem[b]).wait()

    def run_chunks(nch):
        for b in range(NBUF):
            start_gather(b, b)

        def body(g, carry):
            for b in range(NBUF):
                k = NBUF * g + b
                wait_gather(b)
                start_out(k, b)

                @pl.when(k + NBUF < nch)
                def _():
                    wait_out(b)
                    start_gather(k + NBUF, b)

            return carry

        lax.fori_loop(0, nch // NBUF, body, 0)
        for t in range(nch % NBUF):
            k = (nch // NBUF) * NBUF + t
            wait_gather(k % NBUF)
            start_out(k, k % NBUF)
        for b in range(NBUF):
            wait_out(b)

    @pl.when(wid < 2)
    def _():
        run_chunks(BIG_CHUNKS)

    @pl.when(wid >= 2)
    def _():
        run_chunks(SMALL_CHUNKS)


def kernel(x, weight):
    return _embed_gather(x.astype(jnp.int32), weight)

# --- scband reference (transcript-rebuilt; emitter-appended) ---
"""Pipeline reference for scband-atomic-embedding-39264591020679 (READ-ONLY COPY).

The authoritative reference and input builder live on the scoring server;
editing this copy changes nothing except your own understanding.
"""

import jax, jax.numpy as jnp
import numpy as np

MAX_NUM_ELEMENTS = 108
FEATURE_DIM = 128
N_ATOMS = 100000

def setup_inputs(seed: int = 0) -> dict:
    key = jax.random.key(seed)
    k_idx, k_w = jax.random.split(key)
    x = jax.random.randint(k_idx, (N_ATOMS,), 0, MAX_NUM_ELEMENTS, dtype=jnp.int64 if jax.config.jax_enable_x64 else jnp.int32)
    # nn.Embedding(max_num_elements + 1, feature_dim), weight ~ N(0, 0.02)
    weight = jax.random.normal(k_w, (MAX_NUM_ELEMENTS + 1, FEATURE_DIM), dtype=jnp.float32) * 0.02
    return {"x": x, "weight": weight}

def reference(x, weight):
    # forward: self.embedding(x) -> row gather from the embedding table
    return jnp.take(weight, x, axis=0)

if __name__ == "__main__":
    import jax
    _d = setup_inputs()
    print(jax.jit(kernel)(*tuple(_d.values())))

</pallas_src>

<mosaic_0001>
#map = affine_map<(d0, d1) -> (0)>
#map1 = affine_map<(d0, d1) -> (0, 0)>
module attributes {stable_mosaic.version = 14 : i64} {
  func.func @_embed_gather(%arg0: i32, %arg1: i32, %arg2: memref<100000xi32, #tpu.memory_space<hbm>>, %arg3: memref<109x128xf32, #tpu.memory_space<hbm>>, %arg4: memref<100000x128xf32, #tpu.memory_space<hbm>>, %arg5: memref<3200xi32, #tpu.memory_space<vmem>>, %arg6: memref<80x128xf32, #tpu.memory_space<vmem>>, %arg7: memref<80x128xf32, #tpu.memory_space<vmem>>, %arg8: memref<80x128xf32, #tpu.memory_space<vmem>>, %arg9: memref<80x128xf32, #tpu.memory_space<vmem>>, %arg10: memref<109x128xf32, #tpu.memory_space<vmem_shared>>, %arg11: memref<!tpu.dma_semaphore, #tpu.memory_space<semaphore_mem>>, %arg12: memref<!tpu.dma_semaphore, #tpu.memory_space<semaphore_mem>>, %arg13: memref<!tpu.dma_semaphore, #tpu.memory_space<semaphore_mem>>, %arg14: memref<!tpu.dma_semaphore, #tpu.memory_space<semaphore_mem>>, %arg15: memref<!tpu.dma_semaphore, #tpu.memory_space<semaphore_mem>>, %arg16: memref<!tpu.dma_semaphore, #tpu.memory_space<semaphore_mem>>, %arg17: memref<!tpu.dma_semaphore, #tpu.memory_space<semaphore_mem>>, %arg18: memref<!tpu.dma_semaphore, #tpu.memory_space<semaphore_mem>>) attributes {dimension_semantics = [#tpu.dimension_semantics<core_parallel>, #tpu.dimension_semantics<subcore_parallel>], iteration_bounds = array<i64: 2, 16>, scalar_prefetch = 0 : i64, scratch_operands = 14 : i64, tpu.core_type = #tpu.core_type<sc_vector_subcore>, window_params = [{transform_indices = #map}, {transform_indices = #map1}, {transform_indices = #map1}]} {
    %mul3A = arith.constant 2 : i32
    %mul3A_0 = arith.muli %arg1, %mul3A : i32
    %add3A = arith.addi %mul3A_0, %arg0 : i32
    %mul3A_1 = arith.constant 39 : i32
    %mul3A_2 = arith.muli %mul3A_1, %add3A : i32
    %min3A = arith.constant 2 : i32
    %min3A_3 = arith.minsi %add3A, %min3A : i32
    %add3A_4 = arith.addi %mul3A_2, %min3A_3 : i32
    %eq3A = arith.constant 0 : i32
    %eq3A_5 = arith.cmpi eq, %arg1, %eq3A : i32
    %convert_element_type3A = arith.extui %eq3A_5 : i1 to i32
    %cond3A = arith.constant 0 : i32
    %cond3A_6 = arith.cmpi ne, %convert_element_type3A, %cond3A : i32
    scf.if %cond3A_6 {
      "tpu.region"() ({
        %run_scoped3A = tpu.sem_alloc : memref<!tpu.dma_semaphore, #tpu.memory_space<semaphore_mem>>
        tpu.enqueue_dma source(%arg3 : memref<109x128xf32, #tpu.memory_space<hbm>>) target(%arg10 : memref<109x128xf32, #tpu.memory_space<vmem_shared>>) target_semaphore(%run_scoped3A : memref<!tpu.dma_semaphore, #tpu.memory_space<semaphore_mem>>)
        tpu.wait_dma2 semaphore(%run_scoped3A : memref<!tpu.dma_semaphore, #tpu.memory_space<semaphore_mem>>) src(%arg3 : memref<109x128xf32, #tpu.memory_space<hbm>>) dst(%arg10 : memref<109x128xf32, #tpu.memory_space<vmem_shared>>)
        tpu.yield
      }) : () -> ()
    } else {
    }
    %lt3A = arith.constant 2 : i32
    %lt3A_7 = arith.cmpi slt, %add3A, %lt3A : i32
    %convert_element_type3A_8 = arith.extui %lt3A_7 : i1 to i32
    %cond3A_9 = arith.constant 0 : i32
    %cond3A_10 = arith.cmpi ne, %convert_element_type3A_8, %cond3A_9 : i32
    scf.if %cond3A_10 {
      %mul3A_25 = arith.constant 80 : i32
      %mul3A_26 = arith.muli %add3A_4, %mul3A_25 : i32
      "tpu.region"() ({
        %run_scoped3A = tpu.sem_alloc : memref<!tpu.dma_semaphore, #tpu.memory_space<semaphore_mem>>
        %dma_start3A = tpu.memref_slice %arg2[%mul3A_26] : memref<100000xi32, #tpu.memory_space<hbm>> -> memref<3200xi32, #tpu.memory_space<hbm>>
        %dma_start3A_27 = tpu.memref_slice %arg2[%mul3A_26] : memref<100000xi32, #tpu.memory_space<hbm>> -> memref<3200xi32, #tpu.memory_space<hbm>>
        tpu.enqueue_dma source(%dma_start3A_27 : memref<3200xi32, #tpu.memory_space<hbm>>) target(%arg5 : memref<3200xi32, #tpu.memory_space<vmem>>) target_semaphore(%run_scoped3A : memref<!tpu.dma_semaphore, #tpu.memory_space<semaphore_mem>>)
        %dma_wait3A = tpu.memref_slice %arg2[%mul3A_26] : memref<100000xi32, #tpu.memory_space<hbm>> -> memref<3200xi32, #tpu.memory_space<hbm>>
        %dma_wait3A_28 = tpu.memref_slice %arg2[%mul3A_26] : memref<100000xi32, #tpu.memory_space<hbm>> -> memref<3200xi32, #tpu.memory_space<hbm>>
        tpu.wait_dma2 semaphore(%run_scoped3A : memref<!tpu.dma_semaphore, #tpu.memory_space<semaphore_mem>>) src(%dma_wait3A_28 : memref<3200xi32, #tpu.memory_space<hbm>>) dst(%arg5 : memref<3200xi32, #tpu.memory_space<vmem>>)
        tpu.yield
      }) : () -> ()
    } else {
    }
    %ge3A = arith.constant 2 : i32
    %ge3A_11 = arith.cmpi sge, %add3A, %ge3A : i32
    %convert_element_type3A_12 = arith.extui %ge3A_11 : i1 to i32
    %cond3A_13 = arith.constant 0 : i32
    %cond3A_14 = arith.cmpi ne, %convert_element_type3A_12, %cond3A_13 : i32
    scf.if %cond3A_14 {
      %mul3A_25 = arith.constant 80 : i32
      %mul3A_26 = arith.muli %add3A_4, %mul3A_25 : i32
      "tpu.region"() ({
        %run_scoped3A = tpu.sem_alloc : memref<!tpu.dma_semaphore, #tpu.memory_space<semaphore_mem>>
        %dma_start3A = arith.constant 0 : i32
        %dma_start3A_27 = tpu.memref_slice %arg5[%dma_start3A] : memref<3200xi32, #tpu.memory_space<vmem>> -> memref<3120xi32, #tpu.memory_space<vmem>>
        %dma_start3A_28 = tpu.memref_slice %arg2[%mul3A_26] : memref<100000xi32, #tpu.memory_space<hbm>> -> memref<3120xi32, #tpu.memory_space<hbm>>
        %dma_start3A_29 = arith.constant 0 : i32
        %dma_start3A_30 = tpu.memref_slice %arg5[%dma_start3A_29] : memref<3200xi32, #tpu.memory_space<vmem>> -> memref<3120xi32, #tpu.memory_space<vmem>>
        %dma_start3A_31 = tpu.memref_slice %arg2[%mul3A_26] : memref<100000xi32, #tpu.memory_space<hbm>> -> memref<3120xi32, #tpu.memory_space<hbm>>
        tpu.enqueue_dma source(%dma_start3A_31 : memref<3120xi32, #tpu.memory_space<hbm>>) target(%dma_start3A_30 : memref<3120xi32, #tpu.memory_space<vmem>>) target_semaphore(%run_scoped3A : memref<!tpu.dma_semaphore, #tpu.memory_space<semaphore_mem>>)
        %dma_wait3A = arith.constant 0 : i32
        %dma_wait3A_32 = tpu.memref_slice %arg5[%dma_wait3A] : memref<3200xi32, #tpu.memory_space<vmem>> -> memref<3120xi32, #tpu.memory_space<vmem>>
        %dma_wait3A_33 = tpu.memref_slice %arg2[%mul3A_26] : memref<100000xi32, #tpu.memory_space<hbm>> -> memref<3120xi32, #tpu.memory_space<hbm>>
        %dma_wait3A_34 = arith.constant 0 : i32
        %dma_wait3A_35 = tpu.memref_slice %arg5[%dma_wait3A_34] : memref<3200xi32, #tpu.memory_space<vmem>> -> memref<3120xi32, #tpu.memory_space<vmem>>
        %dma_wait3A_36 = tpu.memref_slice %arg2[%mul3A_26] : memref<100000xi32, #tpu.memory_space<hbm>> -> memref<3120xi32, #tpu.memory_space<hbm>>
        tpu.wait_dma2 semaphore(%run_scoped3A : memref<!tpu.dma_semaphore, #tpu.memory_space<semaphore_mem>>) src(%dma_wait3A_36 : memref<3120xi32, #tpu.memory_space<hbm>>) dst(%dma_wait3A_35 : memref<3120xi32, #tpu.memory_space<vmem>>)
        tpu.yield
      }) : () -> ()
    } else {
    }
    %barrier3A = arith.constant 0 : index
    tpu.barrier barrier_id(%barrier3A)
    %lt3A_15 = arith.constant 2 : i32
    %lt3A_16 = arith.cmpi slt, %add3A, %lt3A_15 : i32
    %convert_element_type3A_17 = arith.extui %lt3A_16 : i1 to i32
    %cond3A_18 = arith.constant 0 : i32
    %cond3A_19 = arith.cmpi ne, %convert_element_type3A_17, %cond3A_18 : i32
    scf.if %cond3A_19 {
      %dma_start3A = arith.constant 0 : i32
      %dma_start3A_25 = tpu.memref_slice %arg5[%dma_start3A] : memref<3200xi32, #tpu.memory_space<vmem>> -> memref<80xi32, #tpu.memory_space<vmem>>
      %dma_start3A_26 = arith.constant 0 : i32
      %dma_start3A_27 = arith.constant 0 : i32
      %dma_start3A_28 = tpu.memref_slice %arg10[%dma_start3A_26, %dma_start3A_27] : memref<109x128xf32, #tpu.memory_space<vmem_shared>> -> memref<109x128xf32, #tpu.memory_space<vmem_shared>>
      tpu.enqueue_indirect_dma source(%dma_start3A_28 : memref<109x128xf32, #tpu.memory_space<vmem_shared>>) target(%arg6 : memref<80x128xf32, #tpu.memory_space<vmem>>) offsets(%dma_start3A_25 : memref<80xi32, #tpu.memory_space<vmem>>) semaphore(%arg11 : memref<!tpu.dma_semaphore, #tpu.memory_space<semaphore_mem>>)
      %dma_start3A_29 = arith.constant 80 : i32
      %dma_start3A_30 = tpu.memref_slice %arg5[%dma_start3A_29] : memref<3200xi32, #tpu.memory_space<vmem>> -> memref<80xi32, #tpu.memory_space<vmem>>
      %dma_start3A_31 = arith.constant 0 : i32
      %dma_start3A_32 = arith.constant 0 : i32
      %dma_start3A_33 = tpu.memref_slice %arg10[%dma_start3A_31, %dma_start3A_32] : memref<109x128xf32, #tpu.memory_space<vmem_shared>> -> memref<109x128xf32, #tpu.memory_space<vmem_shared>>
      tpu.enqueue_indirect_dma source(%dma_start3A_33 : memref<109x128xf32, #tpu.memory_space<vmem_shared>>) target(%arg7 : memref<80x128xf32, #tpu.memory_space<vmem>>) offsets(%dma_start3A_30 : memref<80xi32, #tpu.memory_space<vmem>>) semaphore(%arg12 : memref<!tpu.dma_semaphore, #tpu.memory_space<semaphore_mem>>)
      %dma_start3A_34 = arith.constant 160 : i32
      %dma_start3A_35 = tpu.memref_slice %arg5[%dma_start3A_34] : memref<3200xi32, #tpu.memory_space<vmem>> -> memref<80xi32, #tpu.memory_space<vmem>>
      %dma_start3A_36 = arith.constant 0 : i32
      %dma_start3A_37 = arith.constant 0 : i32
      %dma_start3A_38 = tpu.memref_slice %arg10[%dma_start3A_36, %dma_start3A_37] : memref<109x128xf32, #tpu.memory_space<vmem_shared>> -> memref<109x128xf32, #tpu.memory_space<vmem_shared>>
      tpu.enqueue_indirect_dma source(%dma_start3A_38 : memref<109x128xf32, #tpu.memory_space<vmem_shared>>) target(%arg8 : memref<80x128xf32, #tpu.memory_space<vmem>>) offsets(%dma_start3A_35 : memref<80xi32, #tpu.memory_space<vmem>>) semaphore(%arg13 : memref<!tpu.dma_semaphore, #tpu.memory_space<semaphore_mem>>)
      %dma_start3A_39 = arith.constant 240 : i32
      %dma_start3A_40 = tpu.memref_slice %arg5[%dma_start3A_39] : memref<3200xi32, #tpu.memory_space<vmem>> -> memref<80xi32, #tpu.memory_space<vmem>>
      %dma_start3A_41 = arith.constant 0 : i32
      %dma_start3A_42 = arith.constant 0 : i32
      %dma_start3A_43 = tpu.memref_slice %arg10[%dma_start3A_41, %dma_start3A_42] : memref<109x128xf32, #tpu.memory_space<vmem_shared>> -> memref<109x128xf32, #tpu.memory_space<vmem_shared>>
      tpu.enqueue_indirect_dma source(%dma_start3A_43 : memref<109x128xf32, #tpu.memory_space<vmem_shared>>) target(%arg9 : memref<80x128xf32, #tpu.memory_space<vmem>>) offsets(%dma_start3A_40 : memref<80xi32, #tpu.memory_space<vmem>>) semaphore(%arg14 : memref<!tpu.dma_semaphore, #tpu.memory_space<semaphore_mem>>)
      %scan3A = arith.constant 0 : i32
      %scan3A_44 = arith.constant 0 : i32
      %scan3A_45 = arith.constant 10 : i32
      %scan3A_46 = arith.addi %scan3A_44, %scan3A_45 : i32
      %scan3A_47 = arith.constant 1 : i32
      scf.for %scan3A_72 = %scan3A_44 to %scan3A_46 step %scan3A_47  : i32 {
        %mul3A_73 = arith.constant 4 : i32
        %mul3A_74 = arith.muli %mul3A_73, %scan3A_72 : i32
        %add3A_75 = arith.constant 0 : i32
        %add3A_76 = arith.addi %mul3A_74, %add3A_75 : i32
        %dma_wait3A_77 = arith.constant 0 : i32
        %dma_wait3A_78 = tpu.memref_slice %arg5[%dma_wait3A_77] : memref<3200xi32, #tpu.memory_space<vmem>> -> memref<80xi32, #tpu.memory_space<vmem>>
        %dma_wait3A_79 = arith.constant 0 : i32
        %dma_wait3A_80 = arith.constant 0 : i32
        %dma_wait3A_81 = tpu.memref_slice %arg10[%dma_wait3A_79, %dma_wait3A_80] : memref<109x128xf32, #tpu.memory_space<vmem_shared>> -> memref<109x128xf32, #tpu.memory_space<vmem_shared>>
        tpu.wait_indirect_dma semaphore(%arg11 : memref<!tpu.dma_semaphore, #tpu.memory_space<semaphore_mem>>) src(%dma_wait3A_81 : memref<109x128xf32, #tpu.memory_space<vmem_shared>>) dst(%arg6 : memref<80x128xf32, #tpu.memory_space<vmem>>)
        %add3A_82 = arith.addi %add3A_4, %add3A_76 : i32
        %mul3A_83 = arith.constant 80 : i32
        %mul3A_84 = arith.muli %add3A_82, %mul3A_83 : i32
        %dma_start3A_85 = arith.constant 0 : i32
        %dma_start3A_86 = tpu.memref_slice %arg4[%mul3A_84, %dma_start3A_85] : memref<100000x128xf32, #tpu.memory_space<hbm>> -> memref<80x128xf32, #tpu.memory_space<hbm>>
        %dma_start3A_87 = arith.constant 0 : i32
        %dma_start3A_88 = tpu.memref_slice %arg4[%mul3A_84, %dma_start3A_87] : memref<100000x128xf32, #tpu.memory_space<hbm>> -> memref<80x128xf32, #tpu.memory_space<hbm>>
        tpu.enqueue_dma source(%arg6 : memref<80x128xf32, #tpu.memory_space<vmem>>) target(%dma_start3A_88 : memref<80x128xf32, #tpu.memory_space<hbm>>) target_semaphore(%arg15 : memref<!tpu.dma_semaphore, #tpu.memory_space<semaphore_mem>>)
        %add3A_89 = arith.constant 4 : i32
        %add3A_90 = arith.addi %add3A_76, %add3A_89 : i32
        %lt3A_91 = arith.constant 40 : i32
        %lt3A_92 = arith.cmpi slt, %add3A_90, %lt3A_91 : i32
        %convert_element_type3A_93 = arith.extui %lt3A_92 : i1 to i32
        %cond3A_94 = arith.constant 0 : i32
        %cond3A_95 = arith.cmpi ne, %convert_element_type3A_93, %cond3A_94 : i32
        scf.if %cond3A_95 {
          %dma_wait3A_165 = arith.constant 0 : i32
          %dma_wait3A_166 = arith.constant 0 : i32
          %dma_wait3A_167 = tpu.memref_slice %arg4[%dma_wait3A_165, %dma_wait3A_166] : memref<100000x128xf32, #tpu.memory_space<hbm>> -> memref<80x128xf32, #tpu.memory_space<hbm>>
          %dma_wait3A_168 = arith.constant 0 : i32
          %dma_wait3A_169 = arith.constant 0 : i32
          %dma_wait3A_170 = tpu.memref_slice %arg4[%dma_wait3A_168, %dma_wait3A_169] : memref<100000x128xf32, #tpu.memory_space<hbm>> -> memref<80x128xf32, #tpu.memory_space<hbm>>
          tpu.wait_dma2 semaphore(%arg15 : memref<!tpu.dma_semaphore, #tpu.memory_space<semaphore_mem>>) src(%arg6 : memref<80x128xf32, #tpu.memory_space<vmem>>) dst(%dma_wait3A_170 : memref<80x128xf32, #tpu.memory_space<hbm>>)
          %add3A_171 = arith.constant 4 : i32
          %add3A_172 = arith.addi %add3A_76, %add3A_171 : i32
          %mul3A_173 = arith.constant 80 : i32
          %mul3A_174 = arith.muli %add3A_172, %mul3A_173 : i32
          %dma_start3A_175 = tpu.memref_slice %arg5[%mul3A_174] : memref<3200xi32, #tpu.memory_space<vmem>> -> memref<80xi32, #tpu.memory_space<vmem>>
          %dma_start3A_176 = arith.constant 0 : i32
          %dma_start3A_177 = arith.constant 0 : i32
          %dma_start3A_178 = tpu.memref_slice %arg10[%dma_start3A_176, %dma_start3A_177] : memref<109x128xf32, #tpu.memory_space<vmem_shared>> -> memref<109x128xf32, #tpu.memory_space<vmem_shared>>
          tpu.enqueue_indirect_dma source(%dma_start3A_178 : memref<109x128xf32, #tpu.memory_space<vmem_shared>>) target(%arg6 : memref<80x128xf32, #tpu.memory_space<vmem>>) offsets(%dma_start3A_175 : memref<80xi32, #tpu.memory_space<vmem>>) semaphore(%arg11 : memref<!tpu.dma_semaphore, #tpu.memory_space<semaphore_mem>>)
        } else {
        }
        %mul3A_96 = arith.constant 4 : i32
        %mul3A_97 = arith.muli %mul3A_96, %scan3A_72 : i32
        %add3A_98 = arith.constant 1 : i32
        %add3A_99 = arith.addi %mul3A_97, %add3A_98 : i32
        %dma_wait3A_100 = arith.constant 0 : i32
        %dma_wait3A_101 = tpu.memref_slice %arg5[%dma_wait3A_100] : memref<3200xi32, #tpu.memory_space<vmem>> -> memref<80xi32, #tpu.memory_space<vmem>>
        %dma_wait3A_102 = arith.constant 0 : i32
        %dma_wait3A_103 = arith.constant 0 : i32
        %dma_wait3A_104 = tpu.memref_slice %arg10[%dma_wait3A_102, %dma_wait3A_103] : memref<109x128xf32, #tpu.memory_space<vmem_shared>> -> memref<109x128xf32, #tpu.memory_space<vmem_shared>>
        tpu.wait_indirect_dma semaphore(%arg12 : memref<!tpu.dma_semaphore, #tpu.memory_space<semaphore_mem>>) src(%dma_wait3A_104 : memref<109x128xf32, #tpu.memory_space<vmem_shared>>) dst(%arg7 : memref<80x128xf32, #tpu.memory_space<vmem>>)
        %add3A_105 = arith.addi %add3A_4, %add3A_99 : i32
        %mul3A_106 = arith.constant 80 : i32
        %mul3A_107 = arith.muli %add3A_105, %mul3A_106 : i32
        %dma_start3A_108 = arith.constant 0 : i32
        %dma_start3A_109 = tpu.memref_slice %arg4[%mul3A_107, %dma_start3A_108] : memref<100000x128xf32, #tpu.memory_space<hbm>> -> memref<80x128xf32, #tpu.memory_space<hbm>>
        %dma_start3A_110 = arith.constant 0 : i32
        %dma_start3A_111 = tpu.memref_slice %arg4[%mul3A_107, %dma_start3A_110] : memref<100000x128xf32, #tpu.memory_space<hbm>> -> memref<80x128xf32, #tpu.memory_space<hbm>>
        tpu.enqueue_dma source(%arg7 : memref<80x128xf32, #tpu.memory_space<vmem>>) target(%dma_start3A_111 : memref<80x128xf32, #tpu.memory_space<hbm>>) target_semaphore(%arg16 : memref<!tpu.dma_semaphore, #tpu.memory_space<semaphore_mem>>)
        %add3A_112 = arith.constant 4 : i32
        %add3A_113 = arith.addi %add3A_99, %add3A_112 : i32
        %lt3A_114 = arith.constant 40 : i32
        %lt3A_115 = arith.cmpi slt, %add3A_113, %lt3A_114 : i32
        %convert_element_type3A_116 = arith.extui %lt3A_115 : i1 to i32
        %cond3A_117 = arith.constant 0 : i32
        %cond3A_118 = arith.cmpi ne, %convert_element_type3A_116, %cond3A_117 : i32
        scf.if %cond3A_118 {
          %dma_wait3A_165 = arith.constant 0 : i32
          %dma_wait3A_166 = arith.constant 0 : i32
          %dma_wait3A_167 = tpu.memref_slice %arg4[%dma_wait3A_165, %dma_wait3A_166] : memref<100000x128xf32, #tpu.memory_space<hbm>> -> memref<80x128xf32, #tpu.memory_space<hbm>>
          %dma_wait3A_168 = arith.constant 0 : i32
          %dma_wait3A_169 = arith.constant 0 : i32
          %dma_wait3A_170 = tpu.memref_slice %arg4[%dma_wait3A_168, %dma_wait3A_169] : memref<100000x128xf32, #tpu.memory_space<hbm>> -> memref<80x128xf32, #tpu.memory_space<hbm>>
          tpu.wait_dma2 semaphore(%arg16 : memref<!tpu.dma_semaphore, #tpu.memory_space<semaphore_mem>>) src(%arg7 : memref<80x128xf32, #tpu.memory_space<vmem>>) dst(%dma_wait3A_170 : memref<80x128xf32, #tpu.memory_space<hbm>>)
          %add3A_171 = arith.constant 4 : i32
          %add3A_172 = arith.addi %add3A_99, %add3A_171 : i32
          %mul3A_173 = arith.constant 80 : i32
          %mul3A_174 = arith.muli %add3A_172, %mul3A_173 : i32
          %dma_start3A_175 = tpu.memref_slice %arg5[%mul3A_174] : memref<3200xi32, #tpu.memory_space<vmem>> -> memref<80xi32, #tpu.memory_space<vmem>>
          %dma_start3A_176 = arith.constant 0 : i32
          %dma_start3A_177 = arith.constant 0 : i32
          %dma_start3A_178 = tpu.memref_slice %arg10[%dma_start3A_176, %dma_start3A_177] : memref<109x128xf32, #tpu.memory_space<vmem_shared>> -> memref<109x128xf32, #tpu.memory_space<vmem_shared>>
          tpu.enqueue_indirect_dma source(%dma_start3A_178 : memref<109x128xf32, #tpu.memory_space<vmem_shared>>) target(%arg7 : memref<80x128xf32, #tpu.memory_space<vmem>>) offsets(%dma_start3A_175 : memref<80xi32, #tpu.memory_space<vmem>>) semaphore(%arg12 : memref<!tpu.dma_semaphore, #tpu.memory_space<semaphore_mem>>)
        } else {
        }
        %mul3A_119 = arith.constant 4 : i32
        %mul3A_120 = arith.muli %mul3A_119, %scan3A_72 : i32
        %add3A_121 = arith.constant 2 : i32
        %add3A_122 = arith.addi %mul3A_120, %add3A_121 : i32
        %dma_wait3A_123 = arith.constant 0 : i32
        %dma_wait3A_124 = tpu.memref_slice %arg5[%dma_wait3A_123] : memref<3200xi32, #tpu.memory_space<vmem>> -> memref<80xi32, #tpu.memory_space<vmem>>
        %dma_wait3A_125 = arith.constant 0 : i32
        %dma_wait3A_126 = arith.constant 0 : i32
        %dma_wait3A_127 = tpu.memref_slice %arg10[%dma_wait3A_125, %dma_wait3A_126] : memref<109x128xf32, #tpu.memory_space<vmem_shared>> -> memref<109x128xf32, #tpu.memory_space<vmem_shared>>
        tpu.wait_indirect_dma semaphore(%arg13 : memref<!tpu.dma_semaphore, #tpu.memory_space<semaphore_mem>>) src(%dma_wait3A_127 : memref<109x128xf32, #tpu.memory_space<vmem_shared>>) dst(%arg8 : memref<80x128xf32, #tpu.memory_space<vmem>>)
        %add3A_128 = arith.addi %add3A_4, %add3A_122 : i32
        %mul3A_129 = arith.constant 80 : i32
        %mul3A_130 = arith.muli %add3A_128, %mul3A_129 : i32
        %dma_start3A_131 = arith.constant 0 : i32
        %dma_start3A_132 = tpu.memref_slice %arg4[%mul3A_130, %dma_start3A_131] : memref<100000x128xf32, #tpu.memory_space<hbm>> -> memref<80x128xf32, #tpu.memory_space<hbm>>
        %dma_start3A_133 = arith.constant 0 : i32
        %dma_start3A_134 = tpu.memref_slice %arg4[%mul3A_130, %dma_start3A_133] : memref<100000x128xf32, #tpu.memory_space<hbm>> -> memref<80x128xf32, #tpu.memory_space<hbm>>
        tpu.enqueue_dma source(%arg8 : memref<80x128xf32, #tpu.memory_space<vmem>>) target(%dma_start3A_134 : memref<80x128xf32, #tpu.memory_space<hbm>>) target_semaphore(%arg17 : memref<!tpu.dma_semaphore, #tpu.memory_space<semaphore_mem>>)
        %add3A_135 = arith.constant 4 : i32
        %add3A_136 = arith.addi %add3A_122, %add3A_135 : i32
        %lt3A_137 = arith.constant 40 : i32
        %lt3A_138 = arith.cmpi slt, %add3A_136, %lt3A_137 : i32
        %convert_element_type3A_139 = arith.extui %lt3A_138 : i1 to i32
        %cond3A_140 = arith.constant 0 : i32
        %cond3A_141 = arith.cmpi ne, %convert_element_type3A_139, %cond3A_140 : i32
        scf.if %cond3A_141 {
          %dma_wait3A_165 = arith.constant 0 : i32
          %dma_wait3A_166 = arith.constant 0 : i32
          %dma_wait3A_167 = tpu.memref_slice %arg4[%dma_wait3A_165, %dma_wait3A_166] : memref<100000x128xf32, #tpu.memory_space<hbm>> -> memref<80x128xf32, #tpu.memory_space<hbm>>
          %dma_wait3A_168 = arith.constant 0 : i32
          %dma_wait3A_169 = arith.constant 0 : i32
          %dma_wait3A_170 = tpu.memref_slice %arg4[%dma_wait3A_168, %dma_wait3A_169] : memref<100000x128xf32, #tpu.memory_space<hbm>> -> memref<80x128xf32, #tpu.memory_space<hbm>>
          tpu.wait_dma2 semaphore(%arg17 : memref<!tpu.dma_semaphore, #tpu.memory_space<semaphore_mem>>) src(%arg8 : memref<80x128xf32, #tpu.memory_space<vmem>>) dst(%dma_wait3A_170 : memref<80x128xf32, #tpu.memory_space<hbm>>)
          %add3A_171 = arith.constant 4 : i32
          %add3A_172 = arith.addi %add3A_122, %add3A_171 : i32
          %mul3A_173 = arith.constant 80 : i32
          %mul3A_174 = arith.muli %add3A_172, %mul3A_173 : i32
          %dma_start3A_175 = tpu.memref_slice %arg5[%mul3A_174] : memref<3200xi32, #tpu.memory_space<vmem>> -> memref<80xi32, #tpu.memory_space<vmem>>
          %dma_start3A_176 = arith.constant 0 : i32
          %dma_start3A_177 = arith.constant 0 : i32
          %dma_start3A_178 = tpu.memref_slice %arg10[%dma_start3A_176, %dma_start3A_177] : memref<109x128xf32, #tpu.memory_space<vmem_shared>> -> memref<109x128xf32, #tpu.memory_space<vmem_shared>>
          tpu.enqueue_indirect_dma source(%dma_start3A_178 : memref<109x128xf32, #tpu.memory_space<vmem_shared>>) target(%arg8 : memref<80x128xf32, #tpu.memory_space<vmem>>) offsets(%dma_start3A_175 : memref<80xi32, #tpu.memory_space<vmem>>) semaphore(%arg13 : memref<!tpu.dma_semaphore, #tpu.memory_space<semaphore_mem>>)
        } else {
        }
        %mul3A_142 = arith.constant 4 : i32
        %mul3A_143 = arith.muli %mul3A_142, %scan3A_72 : i32
        %add3A_144 = arith.constant 3 : i32
        %add3A_145 = arith.addi %mul3A_143, %add3A_144 : i32
        %dma_wait3A_146 = arith.constant 0 : i32
        %dma_wait3A_147 = tpu.memref_slice %arg5[%dma_wait3A_146] : memref<3200xi32, #tpu.memory_space<vmem>> -> memref<80xi32, #tpu.memory_space<vmem>>
        %dma_wait3A_148 = arith.constant 0 : i32
        %dma_wait3A_149 = arith.constant 0 : i32
        %dma_wait3A_150 = tpu.memref_slice %arg10[%dma_wait3A_148, %dma_wait3A_149] : memref<109x128xf32, #tpu.memory_space<vmem_shared>> -> memref<109x128xf32, #tpu.memory_space<vmem_shared>>
        tpu.wait_indirect_dma semaphore(%arg14 : memref<!tpu.dma_semaphore, #tpu.memory_space<semaphore_mem>>) src(%dma_wait3A_150 : memref<109x128xf32, #tpu.memory_space<vmem_shared>>) dst(%arg9 : memref<80x128xf32, #tpu.memory_space<vmem>>)
        %add3A_151 = arith.addi %add3A_4, %add3A_145 : i32
        %mul3A_152 = arith.constant 80 : i32
        %mul3A_153 = arith.muli %add3A_151, %mul3A_152 : i32
        %dma_start3A_154 = arith.constant 0 : i32
        %dma_start3A_155 = tpu.memref_slice %arg4[%mul3A_153, %dma_start3A_154] : memref<100000x128xf32, #tpu.memory_space<hbm>> -> memref<80x128xf32, #tpu.memory_space<hbm>>
        %dma_start3A_156 = arith.constant 0 : i32
        %dma_start3A_157 = tpu.memref_slice %arg4[%mul3A_153, %dma_start3A_156] : memref<100000x128xf32, #tpu.memory_space<hbm>> -> memref<80x128xf32, #tpu.memory_space<hbm>>
        tpu.enqueue_dma source(%arg9 : memref<80x128xf32, #tpu.memory_space<vmem>>) target(%dma_start3A_157 : memref<80x128xf32, #tpu.memory_space<hbm>>) target_semaphore(%arg18 : memref<!tpu.dma_semaphore, #tpu.memory_space<semaphore_mem>>)
        %add3A_158 = arith.constant 4 : i32
        %add3A_159 = arith.addi %add3A_145, %add3A_158 : i32
        %lt3A_160 = arith.constant 40 : i32
        %lt3A_161 = arith.cmpi slt, %add3A_159, %lt3A_160 : i32
        %convert_element_type3A_162 = arith.extui %lt3A_161 : i1 to i32
        %cond3A_163 = arith.constant 0 : i32
        %cond3A_164 = arith.cmpi ne, %convert_element_type3A_162, %cond3A_163 : i32
        scf.if %cond3A_164 {
          %dma_wait3A_165 = arith.constant 0 : i32
          %dma_wait3A_166 = arith.constant 0 : i32
          %dma_wait3A_167 = tpu.memref_slice %arg4[%dma_wait3A_165, %dma_wait3A_166] : memref<100000x128xf32, #tpu.memory_space<hbm>> -> memref<80x128xf32, #tpu.memory_space<hbm>>
          %dma_wait3A_168 = arith.constant 0 : i32
          %dma_wait3A_169 = arith.constant 0 : i32
          %dma_wait3A_170 = tpu.memref_slice %arg4[%dma_wait3A_168, %dma_wait3A_169] : memref<100000x128xf32, #tpu.memory_space<hbm>> -> memref<80x128xf32, #tpu.memory_space<hbm>>
          tpu.wait_dma2 semaphore(%arg18 : memref<!tpu.dma_semaphore, #tpu.memory_space<semaphore_mem>>) src(%arg9 : memref<80x128xf32, #tpu.memory_space<vmem>>) dst(%dma_wait3A_170 : memref<80x128xf32, #tpu.memory_space<hbm>>)
          %add3A_171 = arith.constant 4 : i32
          %add3A_172 = arith.addi %add3A_145, %add3A_171 : i32
          %mul3A_173 = arith.constant 80 : i32
          %mul3A_174 = arith.muli %add3A_172, %mul3A_173 : i32
          %dma_start3A_175 = tpu.memref_slice %arg5[%mul3A_174] : memref<3200xi32, #tpu.memory_space<vmem>> -> memref<80xi32, #tpu.memory_space<vmem>>
          %dma_start3A_176 = arith.constant 0 : i32
          %dma_start3A_177 = arith.constant 0 : i32
          %dma_start3A_178 = tpu.memref_slice %arg10[%dma_start3A_176, %dma_start3A_177] : memref<109x128xf32, #tpu.memory_space<vmem_shared>> -> memref<109x128xf32, #tpu.memory_space<vmem_shared>>
          tpu.enqueue_indirect_dma source(%dma_start3A_178 : memref<109x128xf32, #tpu.memory_space<vmem_shared>>) target(%arg9 : memref<80x128xf32, #tpu.memory_space<vmem>>) offsets(%dma_start3A_175 : memref<80xi32, #tpu.memory_space<vmem>>) semaphore(%arg14 : memref<!tpu.dma_semaphore, #tpu.memory_space<semaphore_mem>>)
        } else {
        }
      }
      %scan3A_48 = arith.constant 10 : i32
      %dma_wait3A = arith.constant 0 : i32
      %dma_wait3A_49 = arith.constant 0 : i32
      %dma_wait3A_50 = tpu.memref_slice %arg4[%dma_wait3A, %dma_wait3A_49] : memref<100000x128xf32, #tpu.memory_space<hbm>> -> memref<80x128xf32, #tpu.memory_space<hbm>>
      %dma_wait3A_51 = arith.constant 0 : i32
      %dma_wait3A_52 = arith.constant 0 : i32
      %dma_wait3A_53 = tpu.memref_slice %arg4[%dma_wait3A_51, %dma_wait3A_52] : memref<100000x128xf32, #tpu.memory_space<hbm>> -> memref<80x128xf32, #tpu.memory_space<hbm>>
      tpu.wait_dma2 semaphore(%arg15 : memref<!tpu.dma_semaphore, #tpu.memory_space<semaphore_mem>>) src(%arg6 : memref<80x128xf32, #tpu.memory_space<vmem>>) dst(%dma_wait3A_53 : memref<80x128xf32, #tpu.memory_space<hbm>>)
      %dma_wait3A_54 = arith.constant 0 : i32
      %dma_wait3A_55 = arith.constant 0 : i32
      %dma_wait3A_56 = tpu.memref_slice %arg4[%dma_wait3A_54, %dma_wait3A_55] : memref<100000x128xf32, #tpu.memory_space<hbm>> -> memref<80x128xf32, #tpu.memory_space<hbm>>
      %dma_wait3A_57 = arith.constant 0 : i32
      %dma_wait3A_58 = arith.constant 0 : i32
      %dma_wait3A_59 = tpu.memref_slice %arg4[%dma_wait3A_57, %dma_wait3A_58] : memref<100000x128xf32, #tpu.memory_space<hbm>> -> memref<80x128xf32, #tpu.memory_space<hbm>>
      tpu.wait_dma2 semaphore(%arg16 : memref<!tpu.dma_semaphore, #tpu.memory_space<semaphore_mem>>) src(%arg7 : memref<80x128xf32, #tpu.memory_space<vmem>>) dst(%dma_wait3A_59 : memref<80x128xf32, #tpu.memory_space<hbm>>)
      %dma_wait3A_60 = arith.constant 0 : i32
      %dma_wait3A_61 = arith.constant 0 : i32
      %dma_wait3A_62 = tpu.memref_slice %arg4[%dma_wait3A_60, %dma_wait3A_61] : memref<100000x128xf32, #tpu.memory_space<hbm>> -> memref<80x128xf32, #tpu.memory_space<hbm>>
      %dma_wait3A_63 = arith.constant 0 : i32
      %dma_wait3A_64 = arith.constant 0 : i32
      %dma_wait3A_65 = tpu.memref_slice %arg4[%dma_wait3A_63, %dma_wait3A_64] : memref<100000x128xf32, #tpu.memory_space<hbm>> -> memref<80x128xf32, #tpu.memory_space<hbm>>
      tpu.wait_dma2 semaphore(%arg17 : memref<!tpu.dma_semaphore, #tpu.memory_space<semaphore_mem>>) src(%arg8 : memref<80x128xf32, #tpu.memory_space<vmem>>) dst(%dma_wait3A_65 : memref<80x128xf32, #tpu.memory_space<hbm>>)
      %dma_wait3A_66 = arith.constant 0 : i32
      %dma_wait3A_67 = arith.constant 0 : i32
      %dma_wait3A_68 = tpu.memref_slice %arg4[%dma_wait3A_66, %dma_wait3A_67] : memref<100000x128xf32, #tpu.memory_space<hbm>> -> memref<80x128xf32, #tpu.memory_space<hbm>>
      %dma_wait3A_69 = arith.constant 0 : i32
      %dma_wait3A_70 = arith.constant 0 : i32
      %dma_wait3A_71 = tpu.memref_slice %arg4[%dma_wait3A_69, %dma_wait3A_70] : memref<100000x128xf32, #tpu.memory_space<hbm>> -> memref<80x128xf32, #tpu.memory_space<hbm>>
      tpu.wait_dma2 semaphore(%arg18 : memref<!tpu.dma_semaphore, #tpu.memory_space<semaphore_mem>>) src(%arg9 : memref<80x128xf32, #tpu.memory_space<vmem>>) dst(%dma_wait3A_71 : memref<80x128xf32, #tpu.memory_space<hbm>>)
    } else {
    }
    %ge3A_20 = arith.constant 2 : i32
    %ge3A_21 = arith.cmpi sge, %add3A, %ge3A_20 : i32
    %convert_element_type3A_22 = arith.extui %ge3A_21 : i1 to i32
    %cond3A_23 = arith.constant 0 : i32
    %cond3A_24 = arith.cmpi ne, %convert_element_type3A_22, %cond3A_23 : i32
    scf.if %cond3A_24 {
      %dma_start3A = arith.constant 0 : i32
      %dma_start3A_25 = tpu.memref_slice %arg5[%dma_start3A] : memref<3200xi32, #tpu.memory_space<vmem>> -> memref<80xi32, #tpu.memory_space<vmem>>
      %dma_start3A_26 = arith.constant 0 : i32
      %dma_start3A_27 = arith.constant 0 : i32
      %dma_start3A_28 = tpu.memref_slice %arg10[%dma_start3A_26, %dma_start3A_27] : memref<109x128xf32, #tpu.memory_space<vmem_shared>> -> memref<109x128xf32, #tpu.memory_space<vmem_shared>>
      tpu.enqueue_indirect_dma source(%dma_start3A_28 : memref<109x128xf32, #tpu.memory_space<vmem_shared>>) target(%arg6 : memref<80x128xf32, #tpu.memory_space<vmem>>) offsets(%dma_start3A_25 : memref<80xi32, #tpu.memory_space<vmem>>) semaphore(%arg11 : memref<!tpu.dma_semaphore, #tpu.memory_space<semaphore_mem>>)
      %dma_start3A_29 = arith.constant 80 : i32
      %dma_start3A_30 = tpu.memref_slice %arg5[%dma_start3A_29] : memref<3200xi32, #tpu.memory_space<vmem>> -> memref<80xi32, #tpu.memory_space<vmem>>
      %dma_start3A_31 = arith.constant 0 : i32
      %dma_start3A_32 = arith.constant 0 : i32
      %dma_start3A_33 = tpu.memref_slice %arg10[%dma_start3A_31, %dma_start3A_32] : memref<109x128xf32, #tpu.memory_space<vmem_shared>> -> memref<109x128xf32, #tpu.memory_space<vmem_shared>>
      tpu.enqueue_indirect_dma source(%dma_start3A_33 : memref<109x128xf32, #tpu.memory_space<vmem_shared>>) target(%arg7 : memref<80x128xf32, #tpu.memory_space<vmem>>) offsets(%dma_start3A_30 : memref<80xi32, #tpu.memory_space<vmem>>) semaphore(%arg12 : memref<!tpu.dma_semaphore, #tpu.memory_space<semaphore_mem>>)
      %dma_start3A_34 = arith.constant 160 : i32
      %dma_start3A_35 = tpu.memref_slice %arg5[%dma_start3A_34] : memref<3200xi32, #tpu.memory_space<vmem>> -> memref<80xi32, #tpu.memory_space<vmem>>
      %dma_start3A_36 = arith.constant 0 : i32
      %dma_start3A_37 = arith.constant 0 : i32
      %dma_start3A_38 = tpu.memref_slice %arg10[%dma_start3A_36, %dma_start3A_37] : memref<109x128xf32, #tpu.memory_space<vmem_shared>> -> memref<109x128xf32, #tpu.memory_space<vmem_shared>>
      tpu.enqueue_indirect_dma source(%dma_start3A_38 : memref<109x128xf32, #tpu.memory_space<vmem_shared>>) target(%arg8 : memref<80x128xf32, #tpu.memory_space<vmem>>) offsets(%dma_start3A_35 : memref<80xi32, #tpu.memory_space<vmem>>) semaphore(%arg13 : memref<!tpu.dma_semaphore, #tpu.memory_space<semaphore_mem>>)
      %dma_start3A_39 = arith.constant 240 : i32
      %dma_start3A_40 = tpu.memref_slice %arg5[%dma_start3A_39] : memref<3200xi32, #tpu.memory_space<vmem>> -> memref<80xi32, #tpu.memory_space<vmem>>
      %dma_start3A_41 = arith.constant 0 : i32
      %dma_start3A_42 = arith.constant 0 : i32
      %dma_start3A_43 = tpu.memref_slice %arg10[%dma_start3A_41, %dma_start3A_42] : memref<109x128xf32, #tpu.memory_space<vmem_shared>> -> memref<109x128xf32, #tpu.memory_space<vmem_shared>>
      tpu.enqueue_indirect_dma source(%dma_start3A_43 : memref<109x128xf32, #tpu.memory_space<vmem_shared>>) target(%arg9 : memref<80x128xf32, #tpu.memory_space<vmem>>) offsets(%dma_start3A_40 : memref<80xi32, #tpu.memory_space<vmem>>) semaphore(%arg14 : memref<!tpu.dma_semaphore, #tpu.memory_space<semaphore_mem>>)
      %scan3A = arith.constant 0 : i32
      %scan3A_44 = arith.constant 0 : i32
      %scan3A_45 = arith.constant 9 : i32
      %scan3A_46 = arith.addi %scan3A_44, %scan3A_45 : i32
      %scan3A_47 = arith.constant 1 : i32
      scf.for %scan3A_111 = %scan3A_44 to %scan3A_46 step %scan3A_47  : i32 {
        %mul3A_112 = arith.constant 4 : i32
        %mul3A_113 = arith.muli %mul3A_112, %scan3A_111 : i32
        %add3A_114 = arith.constant 0 : i32
        %add3A_115 = arith.addi %mul3A_113, %add3A_114 : i32
        %dma_wait3A_116 = arith.constant 0 : i32
        %dma_wait3A_117 = tpu.memref_slice %arg5[%dma_wait3A_116] : memref<3200xi32, #tpu.memory_space<vmem>> -> memref<80xi32, #tpu.memory_space<vmem>>
        %dma_wait3A_118 = arith.constant 0 : i32
        %dma_wait3A_119 = arith.constant 0 : i32
        %dma_wait3A_120 = tpu.memref_slice %arg10[%dma_wait3A_118, %dma_wait3A_119] : memref<109x128xf32, #tpu.memory_space<vmem_shared>> -> memref<109x128xf32, #tpu.memory_space<vmem_shared>>
        tpu.wait_indirect_dma semaphore(%arg11 : memref<!tpu.dma_semaphore, #tpu.memory_space<semaphore_mem>>) src(%dma_wait3A_120 : memref<109x128xf32, #tpu.memory_space<vmem_shared>>) dst(%arg6 : memref<80x128xf32, #tpu.memory_space<vmem>>)
        %add3A_121 = arith.addi %add3A_4, %add3A_115 : i32
        %mul3A_122 = arith.constant 80 : i32
        %mul3A_123 = arith.muli %add3A_121, %mul3A_122 : i32
        %dma_start3A_124 = arith.constant 0 : i32
        %dma_start3A_125 = tpu.memref_slice %arg4[%mul3A_123, %dma_start3A_124] : memref<100000x128xf32, #tpu.memory_space<hbm>> -> memref<80x128xf32, #tpu.memory_space<hbm>>
        %dma_start3A_126 = arith.constant 0 : i32
        %dma_start3A_127 = tpu.memref_slice %arg4[%mul3A_123, %dma_start3A_126] : memref<100000x128xf32, #tpu.memory_space<hbm>> -> memref<80x128xf32, #tpu.memory_space<hbm>>
        tpu.enqueue_dma source(%arg6 : memref<80x128xf32, #tpu.memory_space<vmem>>) target(%dma_start3A_127 : memref<80x128xf32, #tpu.memory_space<hbm>>) target_semaphore(%arg15 : memref<!tpu.dma_semaphore, #tpu.memory_space<semaphore_mem>>)
        %add3A_128 = arith.constant 4 : i32
        %add3A_129 = arith.addi %add3A_115, %add3A_128 : i32
        %lt3A_130 = arith.constant 39 : i32
        %lt3A_131 = arith.cmpi slt, %add3A_129, %lt3A_130 : i32
        %convert_element_type3A_132 = arith.extui %lt3A_131 : i1 to i32
        %cond3A_133 = arith.constant 0 : i32
        %cond3A_134 = arith.cmpi ne, %convert_element_type3A_132, %cond3A_133 : i32
        scf.if %cond3A_134 {
          %dma_wait3A_204 = arith.constant 0 : i32
          %dma_wait3A_205 = arith.constant 0 : i32
          %dma_wait3A_206 = tpu.memref_slice %arg4[%dma_wait3A_204, %dma_wait3A_205] : memref<100000x128xf32, #tpu.memory_space<hbm>> -> memref<80x128xf32, #tpu.memory_space<hbm>>
          %dma_wait3A_207 = arith.constant 0 : i32
          %dma_wait3A_208 = arith.constant 0 : i32
          %dma_wait3A_209 = tpu.memref_slice %arg4[%dma_wait3A_207, %dma_wait3A_208] : memref<100000x128xf32, #tpu.memory_space<hbm>> -> memref<80x128xf32, #tpu.memory_space<hbm>>
          tpu.wait_dma2 semaphore(%arg15 : memref<!tpu.dma_semaphore, #tpu.memory_space<semaphore_mem>>) src(%arg6 : memref<80x128xf32, #tpu.memory_space<vmem>>) dst(%dma_wait3A_209 : memref<80x128xf32, #tpu.memory_space<hbm>>)
          %add3A_210 = arith.constant 4 : i32
          %add3A_211 = arith.addi %add3A_115, %add3A_210 : i32
          %mul3A_212 = arith.constant 80 : i32
          %mul3A_213 = arith.muli %add3A_211, %mul3A_212 : i32
          %dma_start3A_214 = tpu.memref_slice %arg5[%mul3A_213] : memref<3200xi32, #tpu.memory_space<vmem>> -> memref<80xi32, #tpu.memory_space<vmem>>
          %dma_start3A_215 = arith.constant 0 : i32
          %dma_start3A_216 = arith.constant 0 : i32
          %dma_start3A_217 = tpu.memref_slice %arg10[%dma_start3A_215, %dma_start3A_216] : memref<109x128xf32, #tpu.memory_space<vmem_shared>> -> memref<109x128xf32, #tpu.memory_space<vmem_shared>>
          tpu.enqueue_indirect_dma source(%dma_start3A_217 : memref<109x128xf32, #tpu.memory_space<vmem_shared>>) target(%arg6 : memref<80x128xf32, #tpu.memory_space<vmem>>) offsets(%dma_start3A_214 : memref<80xi32, #tpu.memory_space<vmem>>) semaphore(%arg11 : memref<!tpu.dma_semaphore, #tpu.memory_space<semaphore_mem>>)
        } else {
        }
        %mul3A_135 = arith.constant 4 : i32
        %mul3A_136 = arith.muli %mul3A_135, %scan3A_111 : i32
        %add3A_137 = arith.constant 1 : i32
        %add3A_138 = arith.addi %mul3A_136, %add3A_137 : i32
        %dma_wait3A_139 = arith.constant 0 : i32
        %dma_wait3A_140 = tpu.memref_slice %arg5[%dma_wait3A_139] : memref<3200xi32, #tpu.memory_space<vmem>> -> memref<80xi32, #tpu.memory_space<vmem>>
        %dma_wait3A_141 = arith.constant 0 : i32
        %dma_wait3A_142 = arith.constant 0 : i32
        %dma_wait3A_143 = tpu.memref_slice %arg10[%dma_wait3A_141, %dma_wait3A_142] : memref<109x128xf32, #tpu.memory_space<vmem_shared>> -> memref<109x128xf32, #tpu.memory_space<vmem_shared>>
        tpu.wait_indirect_dma semaphore(%arg12 : memref<!tpu.dma_semaphore, #tpu.memory_space<semaphore_mem>>) src(%dma_wait3A_143 : memref<109x128xf32, #tpu.memory_space<vmem_shared>>) dst(%arg7 : memref<80x128xf32, #tpu.memory_space<vmem>>)
        %add3A_144 = arith.addi %add3A_4, %add3A_138 : i32
        %mul3A_145 = arith.constant 80 : i32
        %mul3A_146 = arith.muli %add3A_144, %mul3A_145 : i32
        %dma_start3A_147 = arith.constant 0 : i32
        %dma_start3A_148 = tpu.memref_slice %arg4[%mul3A_146, %dma_start3A_147] : memref<100000x128xf32, #tpu.memory_space<hbm>> -> memref<80x128xf32, #tpu.memory_space<hbm>>
        %dma_start3A_149 = arith.constant 0 : i32
        %dma_start3A_150 = tpu.memref_slice %arg4[%mul3A_146, %dma_start3A_149] : memref<100000x128xf32, #tpu.memory_space<hbm>> -> memref<80x128xf32, #tpu.memory_space<hbm>>
        tpu.enqueue_dma source(%arg7 : memref<80x128xf32, #tpu.memory_space<vmem>>) target(%dma_start3A_150 : memref<80x128xf32, #tpu.memory_space<hbm>>) target_semaphore(%arg16 : memref<!tpu.dma_semaphore, #tpu.memory_space<semaphore_mem>>)
        %add3A_151 = arith.constant 4 : i32
        %add3A_152 = arith.addi %add3A_138, %add3A_151 : i32
        %lt3A_153 = arith.constant 39 : i32
        %lt3A_154 = arith.cmpi slt, %add3A_152, %lt3A_153 : i32
        %convert_element_type3A_155 = arith.extui %lt3A_154 : i1 to i32
        %cond3A_156 = arith.constant 0 : i32
        %cond3A_157 = arith.cmpi ne, %convert_element_type3A_155, %cond3A_156 : i32
        scf.if %cond3A_157 {
          %dma_wait3A_204 = arith.constant 0 : i32
          %dma_wait3A_205 = arith.constant 0 : i32
          %dma_wait3A_206 = tpu.memref_slice %arg4[%dma_wait3A_204, %dma_wait3A_205] : memref<100000x128xf32, #tpu.memory_space<hbm>> -> memref<80x128xf32, #tpu.memory_space<hbm>>
          %dma_wait3A_207 = arith.constant 0 : i32
          %dma_wait3A_208 = arith.constant 0 : i32
          %dma_wait3A_209 = tpu.memref_slice %arg4[%dma_wait3A_207, %dma_wait3A_208] : memref<100000x128xf32, #tpu.memory_space<hbm>> -> memref<80x128xf32, #tpu.memory_space<hbm>>
          tpu.wait_dma2 semaphore(%arg16 : memref<!tpu.dma_semaphore, #tpu.memory_space<semaphore_mem>>) src(%arg7 : memref<80x128xf32, #tpu.memory_space<vmem>>) dst(%dma_wait3A_209 : memref<80x128xf32, #tpu.memory_space<hbm>>)
          %add3A_210 = arith.constant 4 : i32
          %add3A_211 = arith.addi %add3A_138, %add3A_210 : i32
          %mul3A_212 = arith.constant 80 : i32
          %mul3A_213 = arith.muli %add3A_211, %mul3A_212 : i32
          %dma_start3A_214 = tpu.memref_slice %arg5[%mul3A_213] : memref<3200xi32, #tpu.memory_space<vmem>> -> memref<80xi32, #tpu.memory_space<vmem>>
          %dma_start3A_215 = arith.constant 0 : i32
          %dma_start3A_216 = arith.constant 0 : i32
          %dma_start3A_217 = tpu.memref_slice %arg10[%dma_start3A_215, %dma_start3A_216] : memref<109x128xf32, #tpu.memory_space<vmem_shared>> -> memref<109x128xf32, #tpu.memory_space<vmem_shared>>
          tpu.enqueue_indirect_dma source(%dma_start3A_217 : memref<109x128xf32, #tpu.memory_space<vmem_shared>>) target(%arg7 : memref<80x128xf32, #tpu.memory_space<vmem>>) offsets(%dma_start3A_214 : memref<80xi32, #tpu.memory_space<vmem>>) semaphore(%arg12 : memref<!tpu.dma_semaphore, #tpu.memory_space<semaphore_mem>>)
        } else {
        }
        %mul3A_158 = arith.constant 4 : i32
        %mul3A_159 = arith.muli %mul3A_158, %scan3A_111 : i32
        %add3A_160 = arith.constant 2 : i32
        %add3A_161 = arith.addi %mul3A_159, %add3A_160 : i32
        %dma_wait3A_162 = arith.constant 0 : i32
        %dma_wait3A_163 = tpu.memref_slice %arg5[%dma_wait3A_162] : memref<3200xi32, #tpu.memory_space<vmem>> -> memref<80xi32, #tpu.memory_space<vmem>>
        %dma_wait3A_164 = arith.constant 0 : i32
        %dma_wait3A_165 = arith.constant 0 : i32
        %dma_wait3A_166 = tpu.memref_slice %arg10[%dma_wait3A_164, %dma_wait3A_165] : memref<109x128xf32, #tpu.memory_space<vmem_shared>> -> memref<109x128xf32, #tpu.memory_space<vmem_shared>>
        tpu.wait_indirect_dma semaphore(%arg13 : memref<!tpu.dma_semaphore, #tpu.memory_space<semaphore_mem>>) src(%dma_wait3A_166 : memref<109x128xf32, #tpu.memory_space<vmem_shared>>) dst(%arg8 : memref<80x128xf32, #tpu.memory_space<vmem>>)
        %add3A_167 = arith.addi %add3A_4, %add3A_161 : i32
        %mul3A_168 = arith.constant 80 : i32
        %mul3A_169 = arith.muli %add3A_167, %mul3A_168 : i32
        %dma_start3A_170 = arith.constant 0 : i32
        %dma_start3A_171 = tpu.memref_slice %arg4[%mul3A_169, %dma_start3A_170] : memref<100000x128xf32, #tpu.memory_space<hbm>> -> memref<80x128xf32, #tpu.memory_space<hbm>>
        %dma_start3A_172 = arith.constant 0 : i32
        %dma_start3A_173 = tpu.memref_slice %arg4[%mul3A_169, %dma_start3A_172] : memref<100000x128xf32, #tpu.memory_space<hbm>> -> memref<80x128xf32, #tpu.memory_space<hbm>>
        tpu.enqueue_dma source(%arg8 : memref<80x128xf32, #tpu.memory_space<vmem>>) target(%dma_start3A_173 : memref<80x128xf32, #tpu.memory_space<hbm>>) target_semaphore(%arg17 : memref<!tpu.dma_semaphore, #tpu.memory_space<semaphore_mem>>)
        %add3A_174 = arith.constant 4 : i32
        %add3A_175 = arith.addi %add3A_161, %add3A_174 : i32
        %lt3A_176 = arith.constant 39 : i32
        %lt3A_177 = arith.cmpi slt, %add3A_175, %lt3A_176 : i32
        %convert_element_type3A_178 = arith.extui %lt3A_177 : i1 to i32
        %cond3A_179 = arith.constant 0 : i32
        %cond3A_180 = arith.cmpi ne, %convert_element_type3A_178, %cond3A_179 : i32
        scf.if %cond3A_180 {
          %dma_wait3A_204 = arith.constant 0 : i32
          %dma_wait3A_205 = arith.constant 0 : i32
          %dma_wait3A_206 = tpu.memref_slice %arg4[%dma_wait3A_204, %dma_wait3A_205] : memref<100000x128xf32, #tpu.memory_space<hbm>> -> memref<80x128xf32, #tpu.memory_space<hbm>>
          %dma_wait3A_207 = arith.constant 0 : i32
          %dma_wait3A_208 = arith.constant 0 : i32
          %dma_wait3A_209 = tpu.memref_slice %arg4[%dma_wait3A_207, %dma_wait3A_208] : memref<100000x128xf32, #tpu.memory_space<hbm>> -> memref<80x128xf32, #tpu.memory_space<hbm>>
          tpu.wait_dma2 semaphore(%arg17 : memref<!tpu.dma_semaphore, #tpu.memory_space<semaphore_mem>>) src(%arg8 : memref<80x128xf32, #tpu.memory_space<vmem>>) dst(%dma_wait3A_209 : memref<80x128xf32, #tpu.memory_space<hbm>>)
          %add3A_210 = arith.constant 4 : i32
          %add3A_211 = arith.addi %add3A_161, %add3A_210 : i32
          %mul3A_212 = arith.constant 80 : i32
          %mul3A_213 = arith.muli %add3A_211, %mul3A_212 : i32
          %dma_start3A_214 = tpu.memref_slice %arg5[%mul3A_213] : memref<3200xi32, #tpu.memory_space<vmem>> -> memref<80xi32, #tpu.memory_space<vmem>>
          %dma_start3A_215 = arith.constant 0 : i32
          %dma_start3A_216 = arith.constant 0 : i32
          %dma_start3A_217 = tpu.memref_slice %arg10[%dma_start3A_215, %dma_start3A_216] : memref<109x128xf32, #tpu.memory_space<vmem_shared>> -> memref<109x128xf32, #tpu.memory_space<vmem_shared>>
          tpu.enqueue_indirect_dma source(%dma_start3A_217 : memref<109x128xf32, #tpu.memory_space<vmem_shared>>) target(%arg8 : memref<80x128xf32, #tpu.memory_space<vmem>>) offsets(%dma_start3A_214 : memref<80xi32, #tpu.memory_space<vmem>>) semaphore(%arg13 : memref<!tpu.dma_semaphore, #tpu.memory_space<semaphore_mem>>)
        } else {
        }
        %mul3A_181 = arith.constant 4 : i32
        %mul3A_182 = arith.muli %mul3A_181, %scan3A_111 : i32
        %add3A_183 = arith.constant 3 : i32
        %add3A_184 = arith.addi %mul3A_182, %add3A_183 : i32
        %dma_wait3A_185 = arith.constant 0 : i32
        %dma_wait3A_186 = tpu.memref_slice %arg5[%dma_wait3A_185] : memref<3200xi32, #tpu.memory_space<vmem>> -> memref<80xi32, #tpu.memory_space<vmem>>
        %dma_wait3A_187 = arith.constant 0 : i32
        %dma_wait3A_188 = arith.constant 0 : i32
        %dma_wait3A_189 = tpu.memref_slice %arg10[%dma_wait3A_187, %dma_wait3A_188] : memref<109x128xf32, #tpu.memory_space<vmem_shared>> -> memref<109x128xf32, #tpu.memory_space<vmem_shared>>
        tpu.wait_indirect_dma semaphore(%arg14 : memref<!tpu.dma_semaphore, #tpu.memory_space<semaphore_mem>>) src(%dma_wait3A_189 : memref<109x128xf32, #tpu.memory_space<vmem_shared>>) dst(%arg9 : memref<80x128xf32, #tpu.memory_space<vmem>>)
        %add3A_190 = arith.addi %add3A_4, %add3A_184 : i32
        %mul3A_191 = arith.constant 80 : i32
        %mul3A_192 = arith.muli %add3A_190, %mul3A_191 : i32
        %dma_start3A_193 = arith.constant 0 : i32
        %dma_start3A_194 = tpu.memref_slice %arg4[%mul3A_192, %dma_start3A_193] : memref<100000x128xf32, #tpu.memory_space<hbm>> -> memref<80x128xf32, #tpu.memory_space<hbm>>
        %dma_start3A_195 = arith.constant 0 : i32
        %dma_start3A_196 = tpu.memref_slice %arg4[%mul3A_192, %dma_start3A_195] : memref<100000x128xf32, #tpu.memory_space<hbm>> -> memref<80x128xf32, #tpu.memory_space<hbm>>
        tpu.enqueue_dma source(%arg9 : memref<80x128xf32, #tpu.memory_space<vmem>>) target(%dma_start3A_196 : memref<80x128xf32, #tpu.memory_space<hbm>>) target_semaphore(%arg18 : memref<!tpu.dma_semaphore, #tpu.memory_space<semaphore_mem>>)
        %add3A_197 = arith.constant 4 : i32
        %add3A_198 = arith.addi %add3A_184, %add3A_197 : i32
        %lt3A_199 = arith.constant 39 : i32
        %lt3A_200 = arith.cmpi slt, %add3A_198, %lt3A_199 : i32
        %convert_element_type3A_201 = arith.extui %lt3A_200 : i1 to i32
        %cond3A_202 = arith.constant 0 : i32
        %cond3A_203 = arith.cmpi ne, %convert_element_type3A_201, %cond3A_202 : i32
        scf.if %cond3A_203 {
          %dma_wait3A_204 = arith.constant 0 : i32
          %dma_wait3A_205 = arith.constant 0 : i32
          %dma_wait3A_206 = tpu.memref_slice %arg4[%dma_wait3A_204, %dma_wait3A_205] : memref<100000x128xf32, #tpu.memory_space<hbm>> -> memref<80x128xf32, #tpu.memory_space<hbm>>
          %dma_wait3A_207 = arith.constant 0 : i32
          %dma_wait3A_208 = arith.constant 0 : i32
          %dma_wait3A_209 = tpu.memref_slice %arg4[%dma_wait3A_207, %dma_wait3A_208] : memref<100000x128xf32, #tpu.memory_space<hbm>> -> memref<80x128xf32, #tpu.memory_space<hbm>>
          tpu.wait_dma2 semaphore(%arg18 : memref<!tpu.dma_semaphore, #tpu.memory_space<semaphore_mem>>) src(%arg9 : memref<80x128xf32, #tpu.memory_space<vmem>>) dst(%dma_wait3A_209 : memref<80x128xf32, #tpu.memory_space<hbm>>)
          %add3A_210 = arith.constant 4 : i32
          %add3A_211 = arith.addi %add3A_184, %add3A_210 : i32
          %mul3A_212 = arith.constant 80 : i32
          %mul3A_213 = arith.muli %add3A_211, %mul3A_212 : i32
          %dma_start3A_214 = tpu.memref_slice %arg5[%mul3A_213] : memref<3200xi32, #tpu.memory_space<vmem>> -> memref<80xi32, #tpu.memory_space<vmem>>
          %dma_start3A_215 = arith.constant 0 : i32
          %dma_start3A_216 = arith.constant 0 : i32
          %dma_start3A_217 = tpu.memref_slice %arg10[%dma_start3A_215, %dma_start3A_216] : memref<109x128xf32, #tpu.memory_space<vmem_shared>> -> memref<109x128xf32, #tpu.memory_space<vmem_shared>>
          tpu.enqueue_indirect_dma source(%dma_start3A_217 : memref<109x128xf32, #tpu.memory_space<vmem_shared>>) target(%arg9 : memref<80x128xf32, #tpu.memory_space<vmem>>) offsets(%dma_start3A_214 : memref<80xi32, #tpu.memory_space<vmem>>) semaphore(%arg14 : memref<!tpu.dma_semaphore, #tpu.memory_space<semaphore_mem>>)
        } else {
        }
      }
      %scan3A_48 = arith.constant 9 : i32
      %dma_wait3A = arith.constant 0 : i32
      %dma_wait3A_49 = tpu.memref_slice %arg5[%dma_wait3A] : memref<3200xi32, #tpu.memory_space<vmem>> -> memref<80xi32, #tpu.memory_space<vmem>>
      %dma_wait3A_50 = arith.constant 0 : i32
      %dma_wait3A_51 = arith.constant 0 : i32
      %dma_wait3A_52 = tpu.memref_slice %arg10[%dma_wait3A_50, %dma_wait3A_51] : memref<109x128xf32, #tpu.memory_space<vmem_shared>> -> memref<109x128xf32, #tpu.memory_space<vmem_shared>>
      tpu.wait_indirect_dma semaphore(%arg11 : memref<!tpu.dma_semaphore, #tpu.memory_space<semaphore_mem>>) src(%dma_wait3A_52 : memref<109x128xf32, #tpu.memory_space<vmem_shared>>) dst(%arg6 : memref<80x128xf32, #tpu.memory_space<vmem>>)
      %add3A_53 = arith.constant 36 : i32
      %add3A_54 = arith.addi %add3A_4, %add3A_53 : i32
      %mul3A_55 = arith.constant 80 : i32
      %mul3A_56 = arith.muli %add3A_54, %mul3A_55 : i32
      %dma_start3A_57 = arith.constant 0 : i32
      %dma_start3A_58 = tpu.memref_slice %arg4[%mul3A_56, %dma_start3A_57] : memref<100000x128xf32, #tpu.memory_space<hbm>> -> memref<80x128xf32, #tpu.memory_space<hbm>>
      %dma_start3A_59 = arith.constant 0 : i32
      %dma_start3A_60 = tpu.memref_slice %arg4[%mul3A_56, %dma_start3A_59] : memref<100000x128xf32, #tpu.memory_space<hbm>> -> memref<80x128xf32, #tpu.memory_space<hbm>>
      tpu.enqueue_dma source(%arg6 : memref<80x128xf32, #tpu.memory_space<vmem>>) target(%dma_start3A_60 : memref<80x128xf32, #tpu.memory_space<hbm>>) target_semaphore(%arg15 : memref<!tpu.dma_semaphore, #tpu.memory_space<semaphore_mem>>)
      %dma_wait3A_61 = arith.constant 0 : i32
      %dma_wait3A_62 = tpu.memref_slice %arg5[%dma_wait3A_61] : memref<3200xi32, #tpu.memory_space<vmem>> -> memref<80xi32, #tpu.memory_space<vmem>>
      %dma_wait3A_63 = arith.constant 0 : i32
      %dma_wait3A_64 = arith.constant 0 : i32
      %dma_wait3A_65 = tpu.memref_slice %arg10[%dma_wait3A_63, %dma_wait3A_64] : memref<109x128xf32, #tpu.memory_space<vmem_shared>> -> memref<109x128xf32, #tpu.memory_space<vmem_shared>>
      tpu.wait_indirect_dma semaphore(%arg12 : memref<!tpu.dma_semaphore, #tpu.memory_space<semaphore_mem>>) src(%dma_wait3A_65 : memref<109x128xf32, #tpu.memory_space<vmem_shared>>) dst(%arg7 : memref<80x128xf32, #tpu.memory_space<vmem>>)
      %add3A_66 = arith.constant 37 : i32
      %add3A_67 = arith.addi %add3A_4, %add3A_66 : i32
      %mul3A_68 = arith.constant 80 : i32
      %mul3A_69 = arith.muli %add3A_67, %mul3A_68 : i32
      %dma_start3A_70 = arith.constant 0 : i32
      %dma_start3A_71 = tpu.memref_slice %arg4[%mul3A_69, %dma_start3A_70] : memref<100000x128xf32, #tpu.memory_space<hbm>> -> memref<80x128xf32, #tpu.memory_space<hbm>>
      %dma_start3A_72 = arith.constant 0 : i32
      %dma_start3A_73 = tpu.memref_slice %arg4[%mul3A_69, %dma_start3A_72] : memref<100000x128xf32, #tpu.memory_space<hbm>> -> memref<80x128xf32, #tpu.memory_space<hbm>>
      tpu.enqueue_dma source(%arg7 : memref<80x128xf32, #tpu.memory_space<vmem>>) target(%dma_start3A_73 : memref<80x128xf32, #tpu.memory_space<hbm>>) target_semaphore(%arg16 : memref<!tpu.dma_semaphore, #tpu.memory_space<semaphore_mem>>)
      %dma_wait3A_74 = arith.constant 0 : i32
      %dma_wait3A_75 = tpu.memref_slice %arg5[%dma_wait3A_74] : memref<3200xi32, #tpu.memory_space<vmem>> -> memref<80xi32, #tpu.memory_space<vmem>>
      %dma_wait3A_76 = arith.constant 0 : i32
      %dma_wait3A_77 = arith.constant 0 : i32
      %dma_wait3A_78 = tpu.memref_slice %arg10[%dma_wait3A_76, %dma_wait3A_77] : memref<109x128xf32, #tpu.memory_space<vmem_shared>> -> memref<109x128xf32, #tpu.memory_space<vmem_shared>>
      tpu.wait_indirect_dma semaphore(%arg13 : memref<!tpu.dma_semaphore, #tpu.memory_space<semaphore_mem>>) src(%dma_wait3A_78 : memref<109x128xf32, #tpu.memory_space<vmem_shared>>) dst(%arg8 : memref<80x128xf32, #tpu.memory_space<vmem>>)
      %add3A_79 = arith.constant 38 : i32
      %add3A_80 = arith.addi %add3A_4, %add3A_79 : i32
      %mul3A_81 = arith.constant 80 : i32
      %mul3A_82 = arith.muli %add3A_80, %mul3A_81 : i32
      %dma_start3A_83 = arith.constant 0 : i32
      %dma_start3A_84 = tpu.memref_slice %arg4[%mul3A_82, %dma_start3A_83] : memref<100000x128xf32, #tpu.memory_space<hbm>> -> memref<80x128xf32, #tpu.memory_space<hbm>>
      %dma_start3A_85 = arith.constant 0 : i32
      %dma_start3A_86 = tpu.memref_slice %arg4[%mul3A_82, %dma_start3A_85] : memref<100000x128xf32, #tpu.memory_space<hbm>> -> memref<80x128xf32, #tpu.memory_space<hbm>>
      tpu.enqueue_dma source(%arg8 : memref<80x128xf32, #tpu.memory_space<vmem>>) target(%dma_start3A_86 : memref<80x128xf32, #tpu.memory_space<hbm>>) target_semaphore(%arg17 : memref<!tpu.dma_semaphore, #tpu.memory_space<semaphore_mem>>)
      %dma_wait3A_87 = arith.constant 0 : i32
      %dma_wait3A_88 = arith.constant 0 : i32
      %dma_wait3A_89 = tpu.memref_slice %arg4[%dma_wait3A_87, %dma_wait3A_88] : memref<100000x128xf32, #tpu.memory_space<hbm>> -> memref<80x128xf32, #tpu.memory_space<hbm>>
      %dma_wait3A_90 = arith.constant 0 : i32
      %dma_wait3A_91 = arith.constant 0 : i32
      %dma_wait3A_92 = tpu.memref_slice %arg4[%dma_wait3A_90, %dma_wait3A_91] : memref<100000x128xf32, #tpu.memory_space<hbm>> -> memref<80x128xf32, #tpu.memory_space<hbm>>
      tpu.wait_dma2 semaphore(%arg15 : memref<!tpu.dma_semaphore, #tpu.memory_space<semaphore_mem>>) src(%arg6 : memref<80x128xf32, #tpu.memory_space<vmem>>) dst(%dma_wait3A_92 : memref<80x128xf32, #tpu.memory_space<hbm>>)
      %dma_wait3A_93 = arith.constant 0 : i32
      %dma_wait3A_94 = arith.constant 0 : i32
      %dma_wait3A_95 = tpu.memref_slice %arg4[%dma_wait3A_93, %dma_wait3A_94] : memref<100000x128xf32, #tpu.memory_space<hbm>> -> memref<80x128xf32, #tpu.memory_space<hbm>>
      %dma_wait3A_96 = arith.constant 0 : i32
      %dma_wait3A_97 = arith.constant 0 : i32
      %dma_wait3A_98 = tpu.memref_slice %arg4[%dma_wait3A_96, %dma_wait3A_97] : memref<100000x128xf32, #tpu.memory_space<hbm>> -> memref<80x128xf32, #tpu.memory_space<hbm>>
      tpu.wait_dma2 semaphore(%arg16 : memref<!tpu.dma_semaphore, #tpu.memory_space<semaphore_mem>>) src(%arg7 : memref<80x128xf32, #tpu.memory_space<vmem>>) dst(%dma_wait3A_98 : memref<80x128xf32, #tpu.memory_space<hbm>>)
      %dma_wait3A_99 = arith.constant 0 : i32
      %dma_wait3A_100 = arith.constant 0 : i32
      %dma_wait3A_101 = tpu.memref_slice %arg4[%dma_wait3A_99, %dma_wait3A_100] : memref<100000x128xf32, #tpu.memory_space<hbm>> -> memref<80x128xf32, #tpu.memory_space<hbm>>
      %dma_wait3A_102 = arith.constant 0 : i32
      %dma_wait3A_103 = arith.constant 0 : i32
      %dma_wait3A_104 = tpu.memref_slice %arg4[%dma_wait3A_102, %dma_wait3A_103] : memref<100000x128xf32, #tpu.memory_space<hbm>> -> memref<80x128xf32, #tpu.memory_space<hbm>>
      tpu.wait_dma2 semaphore(%arg17 : memref<!tpu.dma_semaphore, #tpu.memory_space<semaphore_mem>>) src(%arg8 : memref<80x128xf32, #tpu.memory_space<vmem>>) dst(%dma_wait3A_104 : memref<80x128xf32, #tpu.memory_space<hbm>>)
      %dma_wait3A_105 = arith.constant 0 : i32
      %dma_wait3A_106 = arith.constant 0 : i32
      %dma_wait3A_107 = tpu.memref_slice %arg4[%dma_wait3A_105, %dma_wait3A_106] : memref<100000x128xf32, #tpu.memory_space<hbm>> -> memref<80x128xf32, #tpu.memory_space<hbm>>
      %dma_wait3A_108 = arith.constant 0 : i32
      %dma_wait3A_109 = arith.constant 0 : i32
      %dma_wait3A_110 = tpu.memref_slice %arg4[%dma_wait3A_108, %dma_wait3A_109] : memref<100000x128xf32, #tpu.memory_space<hbm>> -> memref<80x128xf32, #tpu.memory_space<hbm>>
      tpu.wait_dma2 semaphore(%arg18 : memref<!tpu.dma_semaphore, #tpu.memory_space<semaphore_mem>>) src(%arg9 : memref<80x128xf32, #tpu.memory_space<vmem>>) dst(%dma_wait3A_110 : memref<80x128xf32, #tpu.memory_space<hbm>>)
    } else {
    }
    return
  }
}

</mosaic_0001>

<sc_bundles>
// kernel: kernel.3.cloned.1.call-start
scs
__scs_entry_jumppad:
0x0: {  	(pc) =	sbr.rel $0x88, $3  }
0x1: {  	(tag) =	ssettag $0x0;
	lr =	simm.s32 $0x1  }
0x2: {  	[smem:$0x3F9F] =	sst lr;
	_ =	strace $0xD0000000  }
0x3: {  	_ = 	snop  }
0x4: {  	_ = 	snop  }
0x5: {  	_ = 	snop  }
0x6: {  	_ = 	snop  }
0x7: {  	_ = 	snop  }
__scs_overlays_trampoline_lowered:
0x8: {  	[smem:$0x3FAE] =	sst s0  }
0x9: {  	[smem:$0x3FAF] =	sst s1  }
0xa: {  	[smem:$0x3FB0] =	sst s2  }
0xb: {  	[smem:$0x3FB1] =	sst s3  }
0xc: {  	[smem:$0x3FB2] =	sst s4  }
0xd: {  	[smem:$0x3FB3] =	sst s5  }
0xe: {  	[smem:$0x3FB4] =	sst s6  }
0xf: {  	[smem:$0x3FB5] =	sst s7  }
0x10: {  	[smem:$0x3FB6] =	sst s8  }
0x11: {  	[smem:$0x3FB7] =	sst s9;
	s0 =	simm.s32 @!p0 $0x0  }
0x12: {  	s1 =	sld [smem:$0x3F9D];
	s0 =	simm.s32 @p0 $0x1  }
0x13: {  	[smem:$0x3FB8] =	sst s0;
	s0 =	simm.s32 @!p1 $0x0  }
0x14: {  	s2 =	sld [smem:$0x3F9C];
	s0 =	simm.s32 @p1 $0x1  }
0x15: {  	[smem:$0x3FB9] =	sst s0;
	s0 =	simm.s32 @!p2 $0x0  }
0x16: {  	s3 =	sld [smem:$0x3FDB];
	s0 =	simm.s32 @p2 $0x1  }
0x17: {  	s4 =	simm.s32 $0x1BF5;
	[smem:$0x3FBB] =	sst s0  }
0x18: {  	s0 =	sld [smem:$0x3F9E];
	_ =	swait.ge [sflag:s4], $0x0  }
0x19: {  	s7 =	sld [smem:$0x3F9F]  }
0x1a: {  	s8 =	sadd.s32 $0xFFFFE003, lr  }
0x1b: {  	s9 =	sadd.s32 $0xFFFFFEF7, lr;
	s5 =	simm.s32 $0xFFFFFFFF;
	p2 =	slt.u32 s8, $0xFFFFF086  }
0x1c: {  	p1 =	slt.u32 s9, $0xF7A;
	s5 =	simm.s32 @!p2 $0x0  }
0x1d: {  	s5 =	simm.s32 @p1 $0x1;
	p0 =	seq.s32 s7, s2  }
0x1e: {  	s7 =	smul.u32 @!p0 $0xF7A, s2;
	p2 =	seq.s32 @!p0 s5, $0x0  }
0x1f: {  	s9 =	smul.u32 $0xF7A, s1;
	s8 =	simm.s32 @!p0 $0x1BF5;
	p2 =	por !p2, p0  }
0x20: {  	[sflag:s8] =	ssyncset.s32 @!p0 $0xFFFFF086;
	s6 =	sadd.s32 @!p0 s3, s7;
	s7 =	simm.s32 @!p0 $0x108  }
0x21: {  	s3 =	sadd.s32 s3, s9;
	s6 =	sadd.s32 @!p0 $0x88, s6;
	s7 =	simm.s32 @p2 $0x1082  }
0x22: {  	[simem:s7], [sflag:s8] =	dma.local @!p0 [hbm:s6], $0xF7A  }
0x23: {  	s9 =	sor.u32 $0xD0000000, s2;
	s6 =	simm.s32 $0x108;
	_ =	swait.ge @!p0 [sflag:s8], $0x0  }
0x24: {  	s3 =	sadd.s32 $0x88, s3;
	s6 =	simm.s32 @!p1 $0x1082;
	[sflag:s4] =	ssyncset.s32 $0xFFFFF086  }
0x25: {  	[simem:s6], [sflag:s4] =	dma.local [hbm:s3], $0xF7A  }
0x26: {  	[smem:$0x3F9F] =	sst s1;
	(tag) =	ssettag s2;
	_ =	strace s9  }
0x27: {  	s1 =	sld [smem:$0x3FAF]  }
0x28: {  	s2 =	sld [smem:$0x3FB0]  }
0x29: {  	s4 =	sld [smem:$0x3FB2]  }
0x2a: {  	p0 =	seq.s32 s5, $0x0;
	s5 =	sld [smem:$0x3FB3]  }
0x2b: {  	s6 =	sld [smem:$0x3FB4]  }
0x2c: {  	s7 =	sld [smem:$0x3FB5]  }
0x2d: {  	s3 =	simm.s32 $0x108;
	s8 =	sld [smem:$0x3FB6]  }
0x2e: {  	s3 =	simm.s32 @!p0 $0x1082;
	s9 =	sld [smem:$0x3FB7]  }
0x2f: {  	lr =	sadd.s32 s0, s3;
	s0 =	sld [smem:$0x3FAE]  }
0x30: {  	s3 =	sld [smem:$0x3FB1]  }
0x31: {  	[smem:$0x3FBA] =	sst s10  }
0x32: {  	s10 =	sld [smem:$0x3FB8];
	_ =	sdelay $0x3  }
0x33: {  	p0 =	seq.s32 s10, $0x1;
	s10 =	sld [smem:$0x3FBA];
	_ =	sdelay $0x3  }
0x34: {  	[smem:$0x3FBA] =	sst s10  }
0x35: {  	s10 =	sld [smem:$0x3FB9];
	_ =	sdelay $0x3  }
0x36: {  	p1 =	seq.s32 s10, $0x1;
	s10 =	sld [smem:$0x3FBA];
	_ =	sdelay $0x3  }
0x37: {  	[smem:$0x3FBA] =	sst s10  }
0x38: {  	s10 =	sld [smem:$0x3FBB]  }
0x39: {  	_ = 	snop;
	(pc) =	sbr.ind lr, $3  }
0x3a: {  	_ = 	snop  }
0x3b: {  	_ = 	snop  }
0x3c: {  	p2 =	seq.s32 s10, $0x1;
	s10 =	sld [smem:$0x3FBA]  }
0x3d: {  	_ =	shalt  }
0x3e: {  	_ =	shalt  }
0x3f: {  	_ =	shalt  }
0x40: {  	_ =	shalt  }
0x41: {  	_ =	shalt  }
0x42: {  	_ =	shalt  }
0x43: {  	_ =	shalt  }
0x44: {  	_ =	shalt  }
0x45: {  	_ =	shalt  }
0x46: {  	_ =	shalt  }
0x47: {  	_ =	shalt  }
0x48: {  	_ =	shalt  }
0x49: {  	_ =	shalt  }
0x4a: {  	_ =	shalt  }
0x4b: {  	_ =	shalt  }
0x4c: {  	_ =	shalt  }
0x4d: {  	_ =	shalt  }
0x4e: {  	_ =	shalt  }
0x4f: {  	_ =	shalt  }
0x50: {  	_ =	shalt  }
0x51: {  	_ =	shalt  }
0x52: {  	_ =	shalt  }
0x53: {  	_ =	shalt  }
0x54: {  	_ =	shalt  }
0x55: {  	_ =	shalt  }
0x56: {  	_ =	shalt  }
0x57: {  	_ =	shalt  }
0x58: {  	_ =	shalt  }
0x59: {  	_ =	shalt  }
0x5a: {  	_ =	shalt  }
0x5b: {  	_ =	shalt  }
0x5c: {  	_ =	shalt  }
0x5d: {  	_ =	shalt  }
0x5e: {  	_ =	shalt  }
0x5f: {  	_ =	shalt  }
0x60: {  	_ =	shalt  }
0x61: {  	_ =	shalt  }
0x62: {  	_ =	shalt  }
0x63: {  	_ =	shalt  }
0x64: {  	_ =	shalt  }
0x65: {  	_ =	shalt  }
0x66: {  	_ =	shalt  }
0x67: {  	_ =	shalt  }
0x68: {  	_ =	shalt  }
0x69: {  	_ =	shalt  }
0x6a: {  	_ =	shalt  }
0x6b: {  	_ =	shalt  }
0x6c: {  	_ =	shalt  }
0x6d: {  	_ =	shalt  }
0x6e: {  	_ =	shalt  }
0x6f: {  	_ =	shalt  }
0x70: {  	_ =	shalt  }
0x71: {  	_ =	shalt  }
0x72: {  	_ =	shalt  }
0x73: {  	_ =	shalt  }
0x74: {  	_ =	shalt  }
0x75: {  	_ =	shalt  }
0x76: {  	_ =	shalt  }
0x77: {  	_ =	shalt  }
0x78: {  	_ =	shalt  }
0x79: {  	_ =	shalt  }
0x7a: {  	_ =	shalt  }
0x7b: {  	_ =	shalt  }
0x7c: {  	_ =	shalt  }
0x7d: {  	_ =	shalt  }
0x7e: {  	_ =	shalt  }
0x7f: {  	_ =	shalt  }
0x80: {  	_ =	shalt  }
0x81: {  	_ =	shalt  }
0x82: {  	_ =	shalt  }
0x83: {  	_ =	shalt  }
0x84: {  	_ =	shalt  }
0x85: {  	_ =	shalt  }
0x86: {  	_ =	shalt  }
0x87: {  	_ =	shalt  }
.Lfunc_end0:
.L_simem_size_0:
called_computation_lowered:
.L_overlay_start_0:
0x88: {  	s2 =	sld [smem:$0x3FD9]  }
0x89: {  	s3 =	sld [smem:$0x3FFE];
	_ =	sdelay $0x1  }
0x8a: {  	s1 =	srdreg.scid  }
0x8b: {  	s0 =	sand.u32 $0x1, s1  }
0x8c: {  	s18 =	sshll.u32 s0, $0xA;
	s2 =	sadd.s32 s3, s2  }
0x8d: {  	s2 =	sadd.s32 s2, s18  }
0x8e: {  	[smem:$0x3FC6] =	sst s2  }
0x8f: {  	_ = 	snop  }
0x90: {  	s2 =	sld [smem:$0x3FC9]  }
0x91: {  	s19 =	sld [smem:$0x3FC8]  }
0x92: {  	s4 =	sld [smem:$0x3FD0];
	(tm) =	ssettm $0x1  }
0x93: {  	s5 =	sld [smem:$0x3FFB];
	_ =	sdelay $0x3  }
0x94: {  	_ =	strace s5  }
0x95: {  	s5 =	sld [smem:$0x3FFC];
	_ =	sdelay $0x3  }
0x96: {  	_ =	strace s5  }
0x97: {  	s5 =	sld [smem:$0x3FFD];
	_ =	sdelay $0x3  }
0x98: {  	_ =	strace s5  }
0x99: {  	_ =	strace $0x8FFFFFFF  }
0x9a: {  	s20 =	sld [smem:$0x3FDB];
	_ =	sdelay $0x1  }
0x9b: {  	s6 =	simm.s32 $_scs_section_size  }
0x9c: {  	s7 =	simm.s32 $_size__tile_overlayer_lowered;
	s8 =	simm.s32 $_tile_overlayer_lowered  }
0x9d: {  	s23 =	simm.s32 $0x1BFF;
	s22 =	sshll.u32 s8, $0x1;
	s5 =	sadd.s32 s6, s20  }
0x9e: {  	s9 =	simm.s32 $0x0;
	s21 =	sshll.u32 s7, $0x1;
	s7 =	sadd.s32 s22, s5  }
0x9f: {  	[timem:s9], [sflag:s23] =	dma.local [hbm:s7], s21  }
0xa0: {  	_ =	swait.ge [sflag:s23], s21  }
0xa1: {  	s6 =	ssub.s32 $0x0, s21;
	[sflag:s23] =	ssyncset.done $0x0  }
0xa2: {  	[sflag:s23] =	ssyncadd.s32 s6;
	_ =	sdelay $0x1  }
0xa3: {  	s24 =	simm.s32 $0x1B8B  }
0xa4: {  	_ =	swait.ge [sflag:s24], $0x1  }
0xa5: {  	[sflag:s24] =	ssyncset.done $0x0  }
0xa6: {  	s25 =	simm.s32 $0x1B8E;
	[sflag:s24] =	ssyncadd.s32 $0xFFFFFFFF  }
0xa7: {  	s26 =	simm.s32 $execute0_lowered;
	[smem:$0x3FD2] =	sst s25  }
0xa8: {  	s6 =	sshll.u32 s26, $0x1;
	_ =	strace $0x80000046;
	[dreg:$0x1] =	wrdreg $0xFFFFFFFF  }
0xa9: {  	s28 =	simm.s32 $_size_execute0_lowered;
	s5 =	sadd.s32 s5, s6;
	[dreg:$0x0] =	wrdreg $0x0  }
0xaa: {  	s6 =	sshll.u32 s28, $0x1;
	[dreg:$0x2] =	wrdreg s5  }
0xab: {  	[dreg:$0x3] =	wrdreg s6  }
0xac: {  	[dreg:$0x4] =	wrdreg $0xC0  }
0xad: {  	_ =	task [dreg:s9], $0x5FFFF  }
0xae: {  	[dreg:$0x1] =	wrdreg $0xFFFFFFFF  }
0xaf: {  	[dreg:$0x0] =	wrdreg $0x60  }
0xb0: {  	[dreg:$0x2] =	wrdreg s2  }
0xb1: {  	[dreg:$0x3] =	wrdreg s19  }
0xb2: {  	[dreg:$0x4] =	wrdreg s4  }
0xb3: {  	[dreg:$0x5] =	wrdreg $0xAC800  }
0xb4: {  	[dreg:$0x6] =	wrdreg $0x9  }
0xb5: {  	_ =	task.clear_ibuf [dreg:s9], $0x7FFFF;
	_ =	strace $0x90000046  }
0xb6: {  	s29 =	simm.s32 $0x9;
	_ =	strace $0x80000048  }
0xb7: {  	_ =	swait.ge [sflag:s29], $0x1  }
0xb8: {  	[sflag:s29] =	ssyncadd.s32 $0xFFFFFFFF  }
0xb9: {  	_ =	strace $0x90000048  }
0xba: {  	_ =	sfence  }
0xbb: {  	s30 =	sld [smem:$0x0];
	_ =	sdelay $0x2  }
0xbc: {  	s31 =	sshll.u32 s1, $0xD;
	s1 =	sshrl.u32 s1, $0x2  }
0xbd: {  	s3 =	sand.u32 $0x4000, s31;
	s1 =	sadd.s32 s1, s30  }
0xbe: {  	s0 =	sor.u32 s3, s0;
	s1 =	sshll.u32 s1, $0x11  }
0xbf: {  	s0 =	sor.u32 s1, s0  }
0xc0: {  	s0 =	sadd.s32 $0x8F2B, s0  }
0xc1: {  	[sflag:s0] =	ssyncadd.remote.s32 $0x1  }
0xc2: {  	_ =	sfence.sel $0xFFFF  }
0xc3: {  	[dreg:$0x0] =	wrdreg $0xFFFFFFFF;
	(pc) =	sbr.abs _section_cstart, $3  }
0xc4: {  	[dreg:$0x1] =	wrdreg $0xFFFFFFFF  }
0xc5: {  	_ =	task.clear_ibuf [dreg:s9], $0x2FFFF;
	_ =	strace $0x9FFFFFFF  }
0xc6: {  	(tm) =	ssettm $0x7FFFFFFF  }
0xc7: {  	_ =	shalt  }
tec
execute0_lowered:
.L_overlay_start_1:
0x0: {  	(tag) =	ssettag $0x1  }
0x1: {  	s1 =	rddreg [dreg:$0x0]  }
0x2: {  	s0 =	srdreg.scid;
	s14 =	rddreg [dreg:$0x2]  }
0x3: {  	s15 =	stileid.u32;
	s3 =	rddreg [dreg:$0x3]  }
0x4: {  	s4 =	simm.s32 $0x0;
	s19 =	simm.s32 $0x9;
	s28 =	simm.s32 $0x1  }
0x5: {  	s29 =	simm.s32 $0x3;
	s30 =	simm.s32 $0x4;
	s31 =	simm.s32 $0x7  }
0x6: {  	s18 =	simm.s32 $0x2;
	s0 =	sand.u32 $0x1, s0;
	s2 =	sshll.u32 s15, $0x1  }
0x7: {  	s17 =	simm.s32 $0x0;
	s22 =	smul.u32 $0x18600, s15;
	s2 =	sor.u32 s0, s2  }
0x8: {  	[smem:$0x7FF] =	sst s4;
	p0 =	seq.s32 s15, $0x0;
	s5 =	smul.u32 $0x27, s2  }
0x9: {  	s26 =	sshrl.u32 s3, $0x3;
	_ =	strace $0x80000047;
	s2 =	smin.u32 s2, $0x2  }
0xa: {  	s7 =	ssub.s32 $0x2, s0;
	s0 =	smul.u32 $0xC300, s0;
	s5 =	sadd.s32 s2, s5  }
0xb: {  	[dreg:$0xb] =	wrdreg s26;
	s8 =	sshrl.u32 s7, $0x1;
	s6 =	smul.u32 $0x2800, s5  }
0xc: {  	s26 =	simm.s32 $0x8480;
	s10 =	ssub.s32 s7, s8;
	s9 =	smul.u32 $0xA, s5  }
0xd: {  	s0 =	sadd.s32 s0, s22;
	s22 =	simm.s32 $0x3480;
	s11 =	smul.u32 $0x500, s5  }
0xe: {  	s2 =	smul.u32 $0x500, s2;
	[dreg:$0xa] =	wrdreg s0;
	s6 =	sshrl.u32 s6, $0x3  }
0xf: {  	s5 =	sadd.s32 s1, s9;
	s9 =	smax.u32 s10, $0x1;
	s13 =	sadd.s32 s14, s11  }
0x10: {  	s10 =	simm.s32 $0xA0;
	s11 =	simm.s32 $0xF0;
	s1 =	simm.s32 $0x8  }
0x11: {  	s20 =	sadd.s32 s14, s6;
	s24 =	sadd.s32 $0xA000, s13;
	s25 =	sadd.s32 $0xA500, s13  }
0x12: {  	s12 =	sadd.s32 $0xAA00, s13;
	s13 =	sadd.s32 $0xAF00, s13;
	s14 =	sadd.s32 s2, s14  }
.Ltmp0:
0x13: {  	s2 =	simm.s32 $0x6;
	[dreg:$0x8] =	wrdreg s24;
	(pc) =	sbr.rel .LBB2_1-.Ltmp0, $4  }
0x14: {  	s21 =	sadd.s32 $0xB400, s20;
	s6 =	sadd.s32 $0xB900, s20;
	[dreg:$0x9] =	wrdreg s25  }
0x15: {  	s23 =	sadd.s32 $0xBE00, s20;
	s16 =	sadd.s32 s0, s14;
	[dreg:$0x5] =	wrdreg s21  }
0x16: {  	s20 =	simm.s32 $0x50;
	s24 =	simm.s32 $0x5C80;
	[dreg:$0x6] =	wrdreg s6  }
0x17: {  	s0 =	simm.s32 $0x5;
	[dreg:$0x7] =	wrdreg s23;
	s21 =	simm.s32 $0xC80  }
.LBB2_8:
0x18: {  	_ =	swait.ge [sflag:s30], $0x2800  }
0x19: {  	[sflag:s30] =	ssyncset.done $0x0  }
0x1a: {  	s10 =	simm.s32 $0xA0;
	s11 =	simm.s32 $0xF0;
	[sflag:s30] =	ssyncadd.s32 $0xFFFFD800  }
0x1b: {  	[hbm4b:s25+s4] =	stream.linear.scatter [tilespmem:s26], [sflag:$0x8], $0x2800, $0x38;
	[tilespmem:$0xAFE8] =	vst v63  }
.LBB2_9:
0x1c: {  	_ =	swait.ge [sflag:s0], $0x2800  }
0x1d: {  	[sflag:s0] =	ssyncset.done $0x0  }
0x1e: {  	[sflag:s0] =	ssyncadd.s32 $0xFFFFD800  }
0x1f: {  	_ =	swait.ge [sflag:s2], $0x2800  }
0x20: {  	[sflag:s2] =	ssyncset.done $0x0  }
0x21: {  	s17 =	sadd.s32 $0x1, s17;
	[sflag:s2] =	ssyncadd.s32 $0xFFFFD800  }
0x22: {  	p1 =	sne.s32 s17, s9;
	_ =	swait.ge [sflag:s31], $0x2800  }
.Ltmp1:
0x23: {  	[sflag:s31] =	ssyncset.done $0x0;
	(pc) =	sbr.rel @!p1 .LBB2_10-.Ltmp1, $4  }
0x24: {  	[sflag:s31] =	ssyncadd.s32 $0xFFFFD800  }
0x25: {  	_ =	swait.ge [sflag:s1], $0x2800  }
0x26: {  	[sflag:s1] =	ssyncset.done $0x0  }
0x27: {  	[sflag:s1] =	ssyncadd.s32 $0xFFFFD800  }
.LBB2_1:
.Ltmp2:
0x28: {  	(pc) =	sbr.rel @p0 .LBB2_5-.Ltmp2, $1  }
0x29: {  	_ =	sdelay $0x3  }
0x2a: {  	s15 =	simm.s32 $0x0  }
0x2b: {  	[tilespmem:s15], [sflag:$0x9] =	stream.linear.gather [hbm4b:s5+s15], $0xC30, $0x38;
	[tilespmem:$0xAFE8] =	vst v63  }
0x2c: {  	_ =	swait.ge [sflag:s19], $0xC30  }
0x2d: {  	[sflag:s19] =	ssyncset.done $0x0  }
0x2e: {  	[sflag:s19] =	ssyncadd.s32 $0xFFFFF3D0  }
0x2f: {  	[bflag:$0x0] =	sbarrier.arrive $0xFFFF  }
0x30: {  	[tilespmem:s21], [sflag:$0x1] =	stream.indirect.gather [spmem:s3], $0x80, s15, s20, $0xb8;
	[tilespmem:$0xAFE8] =	vst v63  }
0x31: {  	_ = 	snop  }
0x32: {  	[tilespmem:s22], [sflag:$0x2] =	stream.indirect.gather [spmem:s3], $0x80, s20, s20, $0xb8;
	[tilespmem:$0xAFE8] =	vst v63  }
0x33: {  	_ = 	snop  }
0x34: {  	[tilespmem:s24], [sflag:$0x3] =	stream.indirect.gather [spmem:s3], $0x80, s10, s20, $0xb8;
	[tilespmem:$0xAFE8] =	vst v63  }
0x35: {  	_ = 	snop  }
0x36: {  	[tilespmem:s26], [sflag:$0x4] =	stream.indirect.gather [spmem:s3], $0x80, s11, s20, $0xb8;
	[tilespmem:$0xAFE8] =	vst v63  }
0x37: {  	_ =	swait.ge [sflag:s28], $0x2800  }
0x38: {  	[sflag:s28] =	ssyncset.done $0x0  }
0x39: {  	s6 =	sadd.s32 $0x0, s16;
	[sflag:s28] =	ssyncadd.s32 $0xFFFFD800  }
0x3a: {  	[hbm4b:s6+s4] =	stream.linear.scatter [tilespmem:s21], [sflag:$0x5], $0x2800, $0x38;
	[tilespmem:$0xAFE8] =	vst v63  }
0x3b: {  	_ =	swait.ge [sflag:s0], $0x2800  }
0x3c: {  	[sflag:s0] =	ssyncset.done $0x0  }
0x3d: {  	s7 =	simm.s32 $0x140;
	[sflag:s0] =	ssyncadd.s32 $0xFFFFD800  }
0x3e: {  	[tilespmem:s21], [sflag:$0x1] =	stream.indirect.gather [spmem:s3], $0x80, s7, s20, $0xb8;
	[tilespmem:$0xAFE8] =	vst v63  }
0x3f: {  	_ =	swait.ge [sflag:s18], $0x2800  }
0x40: {  	[sflag:s18] =	ssyncset.done $0x0  }
0x41: {  	s25 =	sadd.s32 $0x500, s6;
	[sflag:s18] =	ssyncadd.s32 $0xFFFFD800  }
0x42: {  	[hbm4b:s25+s4] =	stream.linear.scatter [tilespmem:s22], [sflag:$0x6], $0x2800, $0x38;
	[tilespmem:$0xAFE8] =	vst v63  }
0x43: {  	_ =	swait.ge [sflag:s2], $0x2800  }
0x44: {  	[sflag:s2] =	ssyncset.done $0x0  }
0x45: {  	s8 =	simm.s32 $0x190;
	[sflag:s2] =	ssyncadd.s32 $0xFFFFD800  }
0x46: {  	[tilespmem:s22], [sflag:$0x2] =	stream.indirect.gather [spmem:s3], $0x80, s8, s20, $0xb8;
	[tilespmem:$0xAFE8] =	vst v63  }
0x47: {  	_ =	swait.ge [sflag:s29], $0x2800  }
0x48: {  	[sflag:s29] =	ssyncset.done $0x0  }
0x49: {  	s23 =	sadd.s32 $0xA00, s6;
	[sflag:s29] =	ssyncadd.s32 $0xFFFFD800  }
0x4a: {  	[hbm4b:s23+s4] =	stream.linear.scatter [tilespmem:s24], [sflag:$0x7], $0x2800, $0x38;
	[tilespmem:$0xAFE8] =	vst v63  }
0x4b: {  	_ =	swait.ge [sflag:s31], $0x2800  }
0x4c: {  	[sflag:s31] =	ssyncset.done $0x0  }
0x4d: {  	s25 =	simm.s32 $0x1E0;
	[sflag:s31] =	ssyncadd.s32 $0xFFFFD800  }
0x4e: {  	[tilespmem:s24], [sflag:$0x3] =	stream.indirect.gather [spmem:s3], $0x80, s25, s20, $0xb8;
	[tilespmem:$0xAFE8] =	vst v63  }
0x4f: {  	_ =	swait.ge [sflag:s30], $0x2800  }
0x50: {  	[sflag:s30] =	ssyncset.done $0x0  }
0x51: {  	s6 =	sadd.s32 $0xF00, s6;
	[sflag:s30] =	ssyncadd.s32 $0xFFFFD800  }
0x52: {  	[hbm4b:s6+s4] =	stream.linear.scatter [tilespmem:s26], [sflag:$0x8], $0x2800, $0x38;
	[tilespmem:$0xAFE8] =	vst v63  }
0x53: {  	_ =	swait.ge [sflag:s1], $0x2800  }
0x54: {  	s15 =	simm.s32 $0x230;
	[sflag:s1] =	ssyncset.done $0x0  }
0x55: {  	s23 =	simm.s32 $0x1400;
	s25 =	simm.s32 $0x370;
	[sflag:s1] =	ssyncadd.s32 $0xFFFFD800  }
.LBB2_3:
0x56: {  	[tilespmem:s26], [sflag:$0x4] =	stream.indirect.gather [spmem:s3], $0x80, s15, s20, $0xb8;
	[tilespmem:$0xAFE8] =	vst v63  }
0x57: {  	s6 =	smov.u32 s23;
	s15 =	smov.u32 s25  }
0x58: {  	p1 =	sne.s32 s23, $0x8C00;
	s23 =	sadd.s32 $0x1400, s23;
	_ =	swait.ge [sflag:s28], $0x2800  }
0x59: {  	[sflag:s28] =	ssyncset.done $0x0  }
0x5a: {  	s6 =	sadd.s32 s6, s16;
	[sflag:s28] =	ssyncadd.s32 $0xFFFFD800  }
0x5b: {  	[hbm4b:s6+s4] =	stream.linear.scatter [tilespmem:s21], [sflag:$0x5], $0x2800, $0x38;
	[tilespmem:$0xAFE8] =	vst v63  }
0x5c: {  	_ =	swait.ge [sflag:s0], $0x2800  }
0x5d: {  	[sflag:s0] =	ssyncset.done $0x0  }
0x5e: {  	s7 =	sadd.s32 $0xFFFFFF10, s25;
	[sflag:s0] =	ssyncadd.s32 $0xFFFFD800  }
0x5f: {  	[tilespmem:s21], [sflag:$0x1] =	stream.indirect.gather [spmem:s3], $0x80, s7, s20, $0xb8;
	[tilespmem:$0xAFE8] =	vst v63  }
0x60: {  	_ =	swait.ge [sflag:s18], $0x2800  }
0x61: {  	[sflag:s18] =	ssyncset.done $0x0  }
0x62: {  	s7 =	sadd.s32 $0x500, s6;
	[sflag:s18] =	ssyncadd.s32 $0xFFFFD800  }
0x63: {  	[hbm4b:s7+s4] =	stream.linear.scatter [tilespmem:s22], [sflag:$0x6], $0x2800, $0x38;
	[tilespmem:$0xAFE8] =	vst v63  }
0x64: {  	_ =	swait.ge [sflag:s2], $0x2800  }
0x65: {  	[sflag:s2] =	ssyncset.done $0x0  }
0x66: {  	s7 =	sadd.s32 $0xFFFFFF60, s25;
	[sflag:s2] =	ssyncadd.s32 $0xFFFFD800  }
0x67: {  	[tilespmem:s22], [sflag:$0x2] =	stream.indirect.gather [spmem:s3], $0x80, s7, s20, $0xb8;
	[tilespmem:$0xAFE8] =	vst v63  }
0x68: {  	_ =	swait.ge [sflag:s29], $0x2800  }
0x69: {  	[sflag:s29] =	ssyncset.done $0x0  }
0x6a: {  	s7 =	sadd.s32 $0xA00, s6;
	[sflag:s29] =	ssyncadd.s32 $0xFFFFD800  }
0x6b: {  	[hbm4b:s7+s4] =	stream.linear.scatter [tilespmem:s24], [sflag:$0x7], $0x2800, $0x38;
	[tilespmem:$0xAFE8] =	vst v63  }
0x6c: {  	_ =	swait.ge [sflag:s31], $0x2800  }
0x6d: {  	[sflag:s31] =	ssyncset.done $0x0  }
0x6e: {  	s7 =	sadd.s32 $0xFFFFFFB0, s25;
	[sflag:s31] =	ssyncadd.s32 $0xFFFFD800  }
0x6f: {  	[tilespmem:s24], [sflag:$0x3] =	stream.indirect.gather [spmem:s3], $0x80, s7, s20, $0xb8;
	[tilespmem:$0xAFE8] =	vst v63  }
0x70: {  	_ =	swait.ge [sflag:s30], $0x2800  }
0x71: {  	[sflag:s30] =	ssyncset.done $0x0  }
.Ltmp3:
0x72: {  	s6 =	sadd.s32 $0xF00, s6;
	[sflag:s30] =	ssyncadd.s32 $0xFFFFD800;
	(pc) =	sbr.rel @p1 .LBB2_3-.Ltmp3, $4  }
0x73: {  	[hbm4b:s6+s4] =	stream.linear.scatter [tilespmem:s26], [sflag:$0x8], $0x2800, $0x38;
	[tilespmem:$0xAFE8] =	vst v63  }
0x74: {  	_ =	swait.ge [sflag:s1], $0x2800  }
0x75: {  	[sflag:s1] =	ssyncset.done $0x0  }
0x76: {  	s25 =	sadd.s32 $0x140, s25;
	[sflag:s1] =	ssyncadd.s32 $0xFFFFD800  }
0x77: {  	[tilespmem:s26], [sflag:$0x4] =	stream.indirect.gather [spmem:s3], $0x80, s15, s20, $0xb8;
	[tilespmem:$0xAFE8] =	vst v63  }
0x78: {  	_ =	swait.ge [sflag:s28], $0x2800  }
0x79: {  	[sflag:s28] =	ssyncset.done $0x0  }
0x7a: {  	s6 =	rddreg [dreg:$0x8];
	[sflag:s28] =	ssyncadd.s32 $0xFFFFD800  }
0x7b: {  	[hbm4b:s6+s4] =	stream.linear.scatter [tilespmem:s21], [sflag:$0x5], $0x2800, $0x38;
	[tilespmem:$0xAFE8] =	vst v63  }
0x7c: {  	_ =	swait.ge [sflag:s0], $0x2800  }
0x7d: {  	[sflag:s0] =	ssyncset.done $0x0  }
0x7e: {  	s23 =	simm.s32 $0xB40;
	[sflag:s0] =	ssyncadd.s32 $0xFFFFD800  }
0x7f: {  	[tilespmem:s21], [sflag:$0x1] =	stream.indirect.gather [spmem:s3], $0x80, s23, s20, $0xb8;
	[tilespmem:$0xAFE8] =	vst v63  }
0x80: {  	_ =	swait.ge [sflag:s18], $0x2800  }
0x81: {  	[sflag:s18] =	ssyncset.done $0x0  }
0x82: {  	s25 =	rddreg [dreg:$0x9];
	[sflag:s18] =	ssyncadd.s32 $0xFFFFD800  }
0x83: {  	[hbm4b:s25+s4] =	stream.linear.scatter [tilespmem:s22], [sflag:$0x6], $0x2800, $0x38;
	[tilespmem:$0xAFE8] =	vst v63  }
0x84: {  	_ =	swait.ge [sflag:s2], $0x2800  }
0x85: {  	[sflag:s2] =	ssyncset.done $0x0  }
0x86: {  	s7 =	simm.s32 $0xB90;
	[sflag:s2] =	ssyncadd.s32 $0xFFFFD800  }
0x87: {  	[tilespmem:s22], [sflag:$0x2] =	stream.indirect.gather [spmem:s3], $0x80, s7, s20, $0xb8;
	[tilespmem:$0xAFE8] =	vst v63  }
0x88: {  	_ =	swait.ge [sflag:s29], $0x2800  }
0x89: {  	[sflag:s29] =	ssyncset.done $0x0  }
0x8a: {  	[sflag:s29] =	ssyncadd.s32 $0xFFFFD800  }
0x8b: {  	[hbm4b:s12+s4] =	stream.linear.scatter [tilespmem:s24], [sflag:$0x7], $0x2800, $0x38;
	[tilespmem:$0xAFE8] =	vst v63  }
0x8c: {  	_ =	swait.ge [sflag:s31], $0x2800  }
0x8d: {  	[sflag:s31] =	ssyncset.done $0x0  }
0x8e: {  	s8 =	simm.s32 $0xBE0;
	[sflag:s31] =	ssyncadd.s32 $0xFFFFD800  }
0x8f: {  	[tilespmem:s24], [sflag:$0x3] =	stream.indirect.gather [spmem:s3], $0x80, s8, s20, $0xb8;
	[tilespmem:$0xAFE8] =	vst v63  }
0x90: {  	_ =	swait.ge [sflag:s30], $0x2800  }
0x91: {  	[sflag:s30] =	ssyncset.done $0x0  }
0x92: {  	[sflag:s30] =	ssyncadd.s32 $0xFFFFD800  }
0x93: {  	[hbm4b:s13+s4] =	stream.linear.scatter [tilespmem:s26], [sflag:$0x8], $0x2800, $0x38;
	[tilespmem:$0xAFE8] =	vst v63  }
0x94: {  	_ =	swait.ge [sflag:s28], $0x2800  }
0x95: {  	[sflag:s28] =	ssyncset.done $0x0  }
0x96: {  	s15 =	rddreg [dreg:$0x5];
	[sflag:s28] =	ssyncadd.s32 $0xFFFFD800  }
0x97: {  	[hbm4b:s15+s4] =	stream.linear.scatter [tilespmem:s21], [sflag:$0x5], $0x2800, $0x38;
	[tilespmem:$0xAFE8] =	vst v63  }
0x98: {  	_ =	swait.ge [sflag:s18], $0x2800  }
0x99: {  	[sflag:s18] =	ssyncset.done $0x0  }
0x9a: {  	s23 =	rddreg [dreg:$0x6];
	[sflag:s18] =	ssyncadd.s32 $0xFFFFD800  }
0x9b: {  	[hbm4b:s23+s4] =	stream.linear.scatter [tilespmem:s22], [sflag:$0x6], $0x2800, $0x38;
	[tilespmem:$0xAFE8] =	vst v63  }
.Ltmp4:
0x9c: {  	_ = 	snop;
	(pc) =	sbr.rel .LBB2_9-.Ltmp4, $4  }
0x9d: {  	_ =	swait.ge [sflag:s29], $0x2800  }
0x9e: {  	[sflag:s29] =	ssyncset.done $0x0  }
0x9f: {  	s25 =	rddreg [dreg:$0x7];
	[sflag:s29] =	ssyncadd.s32 $0xFFFFD800  }
0xa0: {  	[hbm4b:s25+s4] =	stream.linear.scatter [tilespmem:s24], [sflag:$0x7], $0x2800, $0x38;
	[tilespmem:$0xAFE8] =	vst v63  }
.LBB2_5:
0xa1: {  	s6 =	rddreg [dreg:$0x1]  }
0xa2: {  	s7 =	rddreg [dreg:$0xb];
	s8 =	simm.s32 $0x1C09  }
0xa3: {  	[spmem:s7], [sflag:s8] =	dma.local [hbm:s6], $0x6D0  }
0xa4: {  	_ =	swait.ge [sflag:s19], $0x6D0  }
0xa5: {  	[sflag:s19] =	ssyncset.done $0x0  }
0xa6: {  	s15 =	simm.s32 $0x0;
	[sflag:s19] =	ssyncadd.s32 $0xFFFFF930  }
0xa7: {  	[tilespmem:s15], [sflag:$0x9] =	stream.linear.gather [hbm4b:s5+s15], $0xC80, $0x38;
	[tilespmem:$0xAFE8] =	vst v63  }
0xa8: {  	_ =	swait.ge [sflag:s19], $0xC80  }
0xa9: {  	[sflag:s19] =	ssyncset.done $0x0  }
0xaa: {  	[sflag:s19] =	ssyncadd.s32 $0xFFFFF380  }
0xab: {  	[bflag:$0x0] =	sbarrier.arrive $0xFFFF  }
0xac: {  	[tilespmem:s21], [sflag:$0x1] =	stream.indirect.gather [spmem:s3], $0x80, s15, s20, $0xb8;
	[tilespmem:$0xAFE8] =	vst v63  }
0xad: {  	_ = 	snop  }
0xae: {  	[tilespmem:s22], [sflag:$0x2] =	stream.indirect.gather [spmem:s3], $0x80, s20, s20, $0xb8;
	[tilespmem:$0xAFE8] =	vst v63  }
0xaf: {  	_ = 	snop  }
0xb0: {  	[tilespmem:s24], [sflag:$0x3] =	stream.indirect.gather [spmem:s3], $0x80, s10, s20, $0xb8;
	[tilespmem:$0xAFE8] =	vst v63  }
0xb1: {  	s23 =	rddreg [dreg:$0xa]  }
0xb2: {  	[tilespmem:s26], [sflag:$0x4] =	stream.indirect.gather [spmem:s3], $0x80, s11, s20, $0xb8;
	[tilespmem:$0xAFE8] =	vst v63  }
.LBB2_6:
0xb3: {  	_ =	swait.ge [sflag:s28], $0x2800  }
0xb4: {  	p1 =	seq.s32 s15, $0x2D00;
	[sflag:s28] =	ssyncset.done $0x0  }
0xb5: {  	s25 =	sadd.s32 s23, s14;
	s6 =	simm.s32 @p1 $0x2;
	[sflag:s28] =	ssyncadd.s32 $0xFFFFD800  }
0xb6: {  	[hbm4b:s25+s4] =	stream.linear.scatter [tilespmem:s21], [sflag:$0x5], $0x2800, $0x38;
	[tilespmem:$0xAFE8] =	vst v63  }
0xb7: {  	_ =	swait.ge @p1 [sflag:s6], $0x2800  }
0xb8: {  	[sflag:s6] =	ssyncset.done @p1 $0x0  }
0xb9: {  	[sflag:s6] =	ssyncadd.s32 @p1 $0xFFFFD800;
	s6 =	sadd.s32 @p1 s23, s14  }
0xba: {  	s7 =	simm.s32 @p1 $0x0;
	s8 =	simm.s32 @p1 $0x3480;
	s6 =	sadd.s32 @p1 $0x500, s6  }
0xbb: {  	[hbm4b:s6+s7] =	stream.linear.scatter @p1 [tilespmem:s8], [sflag:$0x6], $0x2800, $0x38;
	[tilespmem:$0xAFE8] =	vst v63  }
0xbc: {  	s6 =	simm.s32 @!p1 $0x5  }
0xbd: {  	_ =	swait.ge @!p1 [sflag:s6], $0x2800  }
0xbe: {  	[sflag:s6] =	ssyncset.done @!p1 $0x0  }
0xbf: {  	[sflag:s6] =	ssyncadd.s32 @!p1 $0xFFFFD800;
	s6 =	sshra.s32 @!p1 s15, $0x2  }
0xc0: {  	s10 =	simm.s32 @!p1 $0xC80;
	s8 =	simm.s32 @!p1 $0x50;
	s7 =	sadd.s32 @!p1 $0x140, s6  }
0xc1: {  	[tilespmem:s10], [sflag:$0x1] =	stream.indirect.gather @!p1 [spmem:s3], $0x80, s7, s8, $0xb8;
	[tilespmem:$0xAFE8] =	vst v63  }
0xc2: {  	s7 =	simm.s32 @!p1 $0x2  }
0xc3: {  	_ =	swait.ge @!p1 [sflag:s7], $0x2800  }
0xc4: {  	[sflag:s7] =	ssyncset.done @!p1 $0x0  }
0xc5: {  	[sflag:s7] =	ssyncadd.s32 @!p1 $0xFFFFD800;
	s7 =	sadd.s32 @!p1 s23, s14  }
0xc6: {  	s11 =	simm.s32 @!p1 $0x3480;
	s10 =	simm.s32 @!p1 $0x0;
	s7 =	sadd.s32 @!p1 $0x500, s7  }
0xc7: {  	[hbm4b:s7+s10] =	stream.linear.scatter @!p1 [tilespmem:s11], [sflag:$0x6], $0x2800, $0x38;
	[tilespmem:$0xAFE8] =	vst v63  }
0xc8: {  	s7 =	simm.s32 @!p1 $0x6  }
0xc9: {  	_ =	swait.ge @!p1 [sflag:s7], $0x2800  }
0xca: {  	[sflag:s7] =	ssyncset.done @!p1 $0x0  }
0xcb: {  	s6 =	sadd.s32 @!p1 $0x190, s6;
	[sflag:s7] =	ssyncadd.s32 @!p1 $0xFFFFD800  }
0xcc: {  	[tilespmem:s11], [sflag:$0x2] =	stream.indirect.gather @!p1 [spmem:s3], $0x80, s6, s8, $0xb8;
	[tilespmem:$0xAFE8] =	vst v63  }
.Ltmp5:
0xcd: {  	_ = 	snop;
	(pc) =	sbr.rel @p1 .LBB2_8-.Ltmp5, $4  }
0xce: {  	_ =	swait.ge [sflag:s29], $0x2800  }
0xcf: {  	[sflag:s29] =	ssyncset.done $0x0  }
0xd0: {  	s11 =	sadd.s32 $0xA00, s25;
	s25 =	sadd.s32 $0xF00, s25;
	[sflag:s29] =	ssyncadd.s32 $0xFFFFD800  }
0xd1: {  	[hbm4b:s11+s4] =	stream.linear.scatter [tilespmem:s24], [sflag:$0x7], $0x2800, $0x38;
	[tilespmem:$0xAFE8] =	vst v63  }
0xd2: {  	_ =	swait.ge [sflag:s31], $0x2800  }
0xd3: {  	s6 =	sshra.s32 s15, $0x2;
	[sflag:s31] =	ssyncset.done $0x0  }
0xd4: {  	s7 =	sadd.s32 $0x1E0, s6;
	[sflag:s31] =	ssyncadd.s32 $0xFFFFD800  }
0xd5: {  	[tilespmem:s24], [sflag:$0x3] =	stream.indirect.gather [spmem:s3], $0x80, s7, s20, $0xb8;
	[tilespmem:$0xAFE8] =	vst v63  }
0xd6: {  	_ =	swait.ge [sflag:s30], $0x2800  }
0xd7: {  	[sflag:s30] =	ssyncset.done $0x0  }
0xd8: {  	[sflag:s30] =	ssyncadd.s32 $0xFFFFD800  }
0xd9: {  	[hbm4b:s25+s4] =	stream.linear.scatter [tilespmem:s26], [sflag:$0x8], $0x2800, $0x38;
	[tilespmem:$0xAFE8] =	vst v63  }
.Ltmp6:
0xda: {  	_ = 	snop;
	(pc) =	sbr.rel .LBB2_6-.Ltmp6, $4  }
0xdb: {  	_ =	swait.ge [sflag:s1], $0x2800  }
0xdc: {  	s15 =	sadd.s32 $0x500, s15;
	[sflag:s1] =	ssyncset.done $0x0  }
0xdd: {  	s23 =	sadd.s32 $0x1400, s23;
	s6 =	sadd.s32 $0x230, s6;
	[sflag:s1] =	ssyncadd.s32 $0xFFFFD800  }
0xde: {  	[tilespmem:s26], [sflag:$0x4] =	stream.indirect.gather [spmem:s3], $0x80, s6, s20, $0xb8;
	[tilespmem:$0xAFE8] =	vst v63  }
.LBB2_10:
0xdf: {  	_ =	sfence.sel $0x180000  }
0xe0: {  	[bflag:$0x0] =	sbarrier.arrive $0xFFFF  }
0xe1: {  	_ =	strace $0x90000047  }
0xe2: {  	s0 =	stileid.u32;
	[bflag:$0x2] =	sbarrier.arrive $0xFFFF  }
0xe3: {  	p0 =	sne.s32 s0, $0x0;
	s0 =	rddreg [dreg:$0x4]  }
0xe4: {  	s0 =	sadd.s32 @!p0 $0x100000, s0  }
0xe5: {  	[sflag:s0] =	ssyncadd.tile.s32 @!p0 $0x1;
	_ =	shalt  }
.Lfunc_end2:
_tile_overlayer_lowered:
.L_overlay_start_2:
0xe6: {  	(tag) =	ssettag $0x2  }
0xe7: {  	s0 =	rddreg [dreg:$0x0];
	s2 =	stileid.u32  }
0xe8: {  	s1 =	rddreg [dreg:$0x1];
	p0 =	sne.s32 s2, $0x0  }
0xe9: {  	s3 =	rddreg [dreg:$0x2];
	[bflag:$0x3] =	sbarrier.arrive $0xFFFF;
	s2 =	simm.s32 @!p0 $0x1C09  }
0xea: {  	[timem:s3], [sflag:s2] =	dma.local @!p0 [hbm:s0], s1  }
0xeb: {  	s0 =	simm.s32 @!p0 $0x9  }
0xec: {  	_ =	swait.ge @!p0 [sflag:s0], s1  }
0xed: {  	s1 =	ssub.s32 @!p0 $0x0, s1;
	[sflag:s0] =	ssyncset.done @!p0 $0x0  }
0xee: {  	[sflag:s0] =	ssyncadd.s32 @!p0 s1  }
0xef: {  	[bflag:$0x3] =	sbarrier.arrive $0xFFFF  }
0xf0: {  	_ =	shalt  }

</sc_bundles>
